<compile_context>
chip_gen: v7x
topology: tpu7x:2x2x1
jax: 0.10.2.dev20260603
libtpu: 0.0.44.dev20260713+nightly
codegen_flags: <defaults>
</compile_context>

<pallas_src>
import functools

import jax
import jax.numpy as jnp
from jax import lax
from jax.experimental import pallas as pl
from jax.experimental.pallas import tpu as pltpu
from jax.experimental.pallas import tpu_sc as plsc

D_MODEL = 1024
NUM_IDX = 4 * 8192

NUM_CORES = 2
NUM_SUBCORES = 16
NUM_WORKERS = NUM_CORES * NUM_SUBCORES
PER_WORKER = NUM_IDX // NUM_WORKERS
CHUNK = 8
NUM_CHUNKS = PER_WORKER // CHUNK
NBUF = 15
AHEAD = 14
NUM_GROUPS = 8

_mesh = plsc.VectorSubcoreMesh(core_axis_name="c", subcore_axis_name="s")


@functools.partial(
    pl.kernel,
    mesh=_mesh,
    out_type=jax.ShapeDtypeStruct((NUM_IDX, D_MODEL), jnp.float32),
    scratch_types=[
        pltpu.VMEM((PER_WORKER,), jnp.int32),
    ]
    + [pltpu.VMEM((CHUNK, D_MODEL), jnp.float32)] * NBUF
    + [pltpu.SemaphoreType.DMA] * (2 * NBUF),
)
def _gather_rows(idx_hbm, table_hbm, out_hbm, idx_v, *bufs_and_sems):
    bufs = bufs_and_sems[:NBUF]
    gsems = bufs_and_sems[NBUF : 2 * NBUF]
    wsems = bufs_and_sems[2 * NBUF :]

    wid = lax.axis_index("s") * NUM_CORES + lax.axis_index("c")
    base = wid * PER_WORKER
    pltpu.sync_copy(idx_hbm.at[pl.ds(base, PER_WORKER)], idx_v)

    def fire_gather(c, b):
        pltpu.async_copy(
            table_hbm.at[idx_v.at[pl.ds(c * CHUNK, CHUNK)]], bufs[b], gsems[b]
        )

    def wait_gather(c, b):
        pltpu.make_async_copy(
            table_hbm.at[idx_v.at[pl.ds(c * CHUNK, CHUNK)]], bufs[b], gsems[b]
        ).wait()

    def fire_write(c, b):
        pltpu.async_copy(
            bufs[b], out_hbm.at[pl.ds(base + c * CHUNK, CHUNK)], wsems[b]
        )

    def wait_write(c, b):
        pltpu.make_async_copy(
            bufs[b], out_hbm.at[pl.ds(base + c * CHUNK, CHUNK)], wsems[b]
        ).wait()

    for c in range(AHEAD):
        fire_gather(c, c)

    def group_body(q, carry):
        c0 = NBUF * q
        for b in range(NBUF):
            c = c0 + b
            wait_gather(c, b)
            fire_write(c, b)
            nxt = c + AHEAD
            pn = (b + AHEAD) % NBUF

            @pl.when(nxt < NUM_CHUNKS)
            def _():
                @pl.when(nxt >= NBUF)
                def _():
                    wait_write(nxt - NBUF, pn)

                fire_gather(nxt, pn)

        return carry

    lax.fori_loop(0, NUM_GROUPS, group_body, 0)

    for c in range(NUM_GROUPS * NBUF, NUM_CHUNKS):
        wait_gather(c, c % NBUF)
        fire_write(c, c % NBUF)

    for c in range(NUM_CHUNKS - NBUF, NUM_CHUNKS):
        wait_write(c, c % NBUF)


def kernel(src_seq, pos_embedding):
    flat_idx = src_seq.reshape(-1).astype(jnp.int32)
    out = _gather_rows(flat_idx, pos_embedding)
    return out.reshape(src_seq.shape + (pos_embedding.shape[1],))

# --- scband reference (transcript-rebuilt; emitter-appended) ---
"""Pipeline reference for scband-positional-encoding-20169166422398 (READ-ONLY COPY).

The authoritative reference and input builder live on the scoring server;
editing this copy changes nothing except your own understanding.
"""

import jax, jax.numpy as jnp
import numpy as np

MAX_SEQ_LEN = 8192
D_MODEL = 1024
PAD_IDX = 0

def _build_pos_enc(max_seq_len, d_model, pad_idx):
    pos_enc = np.array([[pos / np.power(10000, 2.0 * (i // 2) / d_model) for i in range(d_model)] for pos in range(max_seq_len)])
    pos_enc[:, 0::2] = np.sin(pos_enc[:, 0::2])
    pos_enc[:, 1::2] = np.cos(pos_enc[:, 1::2])
    pos_enc[pad_idx] = 0.0
    return jnp.asarray(pos_enc, dtype=jnp.float32)

def setup_inputs(seed: int = 0) -> dict:
    key = jax.random.key(seed)
    k1, _ = jax.random.split(key)
    src_seq = jax.random.randint(k1, (4, 8192), 0, MAX_SEQ_LEN, dtype=jnp.int64 if jax.config.jax_enable_x64 else jnp.int32)
    pos_embedding = _build_pos_enc(MAX_SEQ_LEN, D_MODEL, PAD_IDX)
    return {"src_seq": src_seq, "pos_embedding": pos_embedding}

def reference(src_seq, pos_embedding):
    # PositionalEncoding.forward: embedding lookup into the positional table
    return jnp.take(pos_embedding, src_seq, axis=0)

if __name__ == "__main__":
    import jax
    _d = setup_inputs()
    print(jax.jit(kernel)(*tuple(_d.values())))

</pallas_src>

<mosaic_0001>
#map = affine_map<(d0, d1) -> (0)>
#map1 = affine_map<(d0, d1) -> (0, 0)>
module attributes {stable_mosaic.version = 14 : i64} {
  func.func @_gather_rows(%arg0: i32, %arg1: i32, %arg2: memref<32768xi32, #tpu.memory_space<hbm>>, %arg3: memref<8192x1024xf32, #tpu.memory_space<hbm>>, %arg4: memref<32768x1024xf32, #tpu.memory_space<hbm>>, %arg5: memref<1024xi32, #tpu.memory_space<vmem>>, %arg6: memref<8x1024xf32, #tpu.memory_space<vmem>>, %arg7: memref<8x1024xf32, #tpu.memory_space<vmem>>, %arg8: memref<8x1024xf32, #tpu.memory_space<vmem>>, %arg9: memref<8x1024xf32, #tpu.memory_space<vmem>>, %arg10: memref<8x1024xf32, #tpu.memory_space<vmem>>, %arg11: memref<8x1024xf32, #tpu.memory_space<vmem>>, %arg12: memref<8x1024xf32, #tpu.memory_space<vmem>>, %arg13: memref<8x1024xf32, #tpu.memory_space<vmem>>, %arg14: memref<8x1024xf32, #tpu.memory_space<vmem>>, %arg15: memref<8x1024xf32, #tpu.memory_space<vmem>>, %arg16: memref<8x1024xf32, #tpu.memory_space<vmem>>, %arg17: memref<8x1024xf32, #tpu.memory_space<vmem>>, %arg18: memref<8x1024xf32, #tpu.memory_space<vmem>>, %arg19: memref<8x1024xf32, #tpu.memory_space<vmem>>, %arg20: memref<8x1024xf32, #tpu.memory_space<vmem>>, %arg21: memref<!tpu.dma_semaphore, #tpu.memory_space<semaphore_mem>>, %arg22: memref<!tpu.dma_semaphore, #tpu.memory_space<semaphore_mem>>, %arg23: memref<!tpu.dma_semaphore, #tpu.memory_space<semaphore_mem>>, %arg24: memref<!tpu.dma_semaphore, #tpu.memory_space<semaphore_mem>>, %arg25: memref<!tpu.dma_semaphore, #tpu.memory_space<semaphore_mem>>, %arg26: memref<!tpu.dma_semaphore, #tpu.memory_space<semaphore_mem>>, %arg27: memref<!tpu.dma_semaphore, #tpu.memory_space<semaphore_mem>>, %arg28: memref<!tpu.dma_semaphore, #tpu.memory_space<semaphore_mem>>, %arg29: memref<!tpu.dma_semaphore, #tpu.memory_space<semaphore_mem>>, %arg30: memref<!tpu.dma_semaphore, #tpu.memory_space<semaphore_mem>>, %arg31: memref<!tpu.dma_semaphore, #tpu.memory_space<semaphore_mem>>, %arg32: memref<!tpu.dma_semaphore, #tpu.memory_space<semaphore_mem>>, %arg33: memref<!tpu.dma_semaphore, #tpu.memory_space<semaphore_mem>>, %arg34: memref<!tpu.dma_semaphore, #tpu.memory_space<semaphore_mem>>, %arg35: memref<!tpu.dma_semaphore, #tpu.memory_space<semaphore_mem>>, %arg36: memref<!tpu.dma_semaphore, #tpu.memory_space<semaphore_mem>>, %arg37: memref<!tpu.dma_semaphore, #tpu.memory_space<semaphore_mem>>, %arg38: memref<!tpu.dma_semaphore, #tpu.memory_space<semaphore_mem>>, %arg39: memref<!tpu.dma_semaphore, #tpu.memory_space<semaphore_mem>>, %arg40: memref<!tpu.dma_semaphore, #tpu.memory_space<semaphore_mem>>, %arg41: memref<!tpu.dma_semaphore, #tpu.memory_space<semaphore_mem>>, %arg42: memref<!tpu.dma_semaphore, #tpu.memory_space<semaphore_mem>>, %arg43: memref<!tpu.dma_semaphore, #tpu.memory_space<semaphore_mem>>, %arg44: memref<!tpu.dma_semaphore, #tpu.memory_space<semaphore_mem>>, %arg45: memref<!tpu.dma_semaphore, #tpu.memory_space<semaphore_mem>>, %arg46: memref<!tpu.dma_semaphore, #tpu.memory_space<semaphore_mem>>, %arg47: memref<!tpu.dma_semaphore, #tpu.memory_space<semaphore_mem>>, %arg48: memref<!tpu.dma_semaphore, #tpu.memory_space<semaphore_mem>>, %arg49: memref<!tpu.dma_semaphore, #tpu.memory_space<semaphore_mem>>, %arg50: memref<!tpu.dma_semaphore, #tpu.memory_space<semaphore_mem>>) attributes {dimension_semantics = [#tpu.dimension_semantics<core_parallel>, #tpu.dimension_semantics<subcore_parallel>], iteration_bounds = array<i64: 2, 16>, scalar_prefetch = 0 : i64, scratch_operands = 46 : i64, tpu.core_type = #tpu.core_type<sc_vector_subcore>, window_params = [{transform_indices = #map}, {transform_indices = #map1}, {transform_indices = #map1}]} {
    %mul3A = arith.constant 2 : i32
    %mul3A_0 = arith.muli %arg1, %mul3A : i32
    %add3A = arith.addi %mul3A_0, %arg0 : i32
    %mul3A_1 = arith.constant 1024 : i32
    %mul3A_2 = arith.muli %add3A, %mul3A_1 : i32
    "tpu.region"() ({
      %run_scoped3A = tpu.sem_alloc : memref<!tpu.dma_semaphore, #tpu.memory_space<semaphore_mem>>
      %dma_start3A_254 = tpu.memref_slice %arg2[%mul3A_2] : memref<32768xi32, #tpu.memory_space<hbm>> -> memref<1024xi32, #tpu.memory_space<hbm>>
      %dma_start3A_255 = tpu.memref_slice %arg2[%mul3A_2] : memref<32768xi32, #tpu.memory_space<hbm>> -> memref<1024xi32, #tpu.memory_space<hbm>>
      tpu.enqueue_dma source(%dma_start3A_255 : memref<1024xi32, #tpu.memory_space<hbm>>) target(%arg5 : memref<1024xi32, #tpu.memory_space<vmem>>) target_semaphore(%run_scoped3A : memref<!tpu.dma_semaphore, #tpu.memory_space<semaphore_mem>>)
      %dma_wait3A_256 = tpu.memref_slice %arg2[%mul3A_2] : memref<32768xi32, #tpu.memory_space<hbm>> -> memref<1024xi32, #tpu.memory_space<hbm>>
      %dma_wait3A_257 = tpu.memref_slice %arg2[%mul3A_2] : memref<32768xi32, #tpu.memory_space<hbm>> -> memref<1024xi32, #tpu.memory_space<hbm>>
      tpu.wait_dma2 semaphore(%run_scoped3A : memref<!tpu.dma_semaphore, #tpu.memory_space<semaphore_mem>>) src(%dma_wait3A_257 : memref<1024xi32, #tpu.memory_space<hbm>>) dst(%arg5 : memref<1024xi32, #tpu.memory_space<vmem>>)
      tpu.yield
    }) : () -> ()
    %dma_start3A = arith.constant 0 : i32
    %dma_start3A_3 = tpu.memref_slice %arg5[%dma_start3A] : memref<1024xi32, #tpu.memory_space<vmem>> -> memref<8xi32, #tpu.memory_space<vmem>>
    %dma_start3A_4 = arith.constant 0 : i32
    %dma_start3A_5 = arith.constant 0 : i32
    %dma_start3A_6 = tpu.memref_slice %arg3[%dma_start3A_4, %dma_start3A_5] : memref<8192x1024xf32, #tpu.memory_space<hbm>> -> memref<8192x1024xf32, #tpu.memory_space<hbm>>
    tpu.enqueue_indirect_dma source(%dma_start3A_6 : memref<8192x1024xf32, #tpu.memory_space<hbm>>) target(%arg6 : memref<8x1024xf32, #tpu.memory_space<vmem>>) offsets(%dma_start3A_3 : memref<8xi32, #tpu.memory_space<vmem>>) semaphore(%arg21 : memref<!tpu.dma_semaphore, #tpu.memory_space<semaphore_mem>>)
    %dma_start3A_7 = arith.constant 8 : i32
    %dma_start3A_8 = tpu.memref_slice %arg5[%dma_start3A_7] : memref<1024xi32, #tpu.memory_space<vmem>> -> memref<8xi32, #tpu.memory_space<vmem>>
    %dma_start3A_9 = arith.constant 0 : i32
    %dma_start3A_10 = arith.constant 0 : i32
    %dma_start3A_11 = tpu.memref_slice %arg3[%dma_start3A_9, %dma_start3A_10] : memref<8192x1024xf32, #tpu.memory_space<hbm>> -> memref<8192x1024xf32, #tpu.memory_space<hbm>>
    tpu.enqueue_indirect_dma source(%dma_start3A_11 : memref<8192x1024xf32, #tpu.memory_space<hbm>>) target(%arg7 : memref<8x1024xf32, #tpu.memory_space<vmem>>) offsets(%dma_start3A_8 : memref<8xi32, #tpu.memory_space<vmem>>) semaphore(%arg22 : memref<!tpu.dma_semaphore, #tpu.memory_space<semaphore_mem>>)
    %dma_start3A_12 = arith.constant 16 : i32
    %dma_start3A_13 = tpu.memref_slice %arg5[%dma_start3A_12] : memref<1024xi32, #tpu.memory_space<vmem>> -> memref<8xi32, #tpu.memory_space<vmem>>
    %dma_start3A_14 = arith.constant 0 : i32
    %dma_start3A_15 = arith.constant 0 : i32
    %dma_start3A_16 = tpu.memref_slice %arg3[%dma_start3A_14, %dma_start3A_15] : memref<8192x1024xf32, #tpu.memory_space<hbm>> -> memref<8192x1024xf32, #tpu.memory_space<hbm>>
    tpu.enqueue_indirect_dma source(%dma_start3A_16 : memref<8192x1024xf32, #tpu.memory_space<hbm>>) target(%arg8 : memref<8x1024xf32, #tpu.memory_space<vmem>>) offsets(%dma_start3A_13 : memref<8xi32, #tpu.memory_space<vmem>>) semaphore(%arg23 : memref<!tpu.dma_semaphore, #tpu.memory_space<semaphore_mem>>)
    %dma_start3A_17 = arith.constant 24 : i32
    %dma_start3A_18 = tpu.memref_slice %arg5[%dma_start3A_17] : memref<1024xi32, #tpu.memory_space<vmem>> -> memref<8xi32, #tpu.memory_space<vmem>>
    %dma_start3A_19 = arith.constant 0 : i32
    %dma_start3A_20 = arith.constant 0 : i32
    %dma_start3A_21 = tpu.memref_slice %arg3[%dma_start3A_19, %dma_start3A_20] : memref<8192x1024xf32, #tpu.memory_space<hbm>> -> memref<8192x1024xf32, #tpu.memory_space<hbm>>
    tpu.enqueue_indirect_dma source(%dma_start3A_21 : memref<8192x1024xf32, #tpu.memory_space<hbm>>) target(%arg9 : memref<8x1024xf32, #tpu.memory_space<vmem>>) offsets(%dma_start3A_18 : memref<8xi32, #tpu.memory_space<vmem>>) semaphore(%arg24 : memref<!tpu.dma_semaphore, #tpu.memory_space<semaphore_mem>>)
    %dma_start3A_22 = arith.constant 32 : i32
    %dma_start3A_23 = tpu.memref_slice %arg5[%dma_start3A_22] : memref<1024xi32, #tpu.memory_space<vmem>> -> memref<8xi32, #tpu.memory_space<vmem>>
    %dma_start3A_24 = arith.constant 0 : i32
    %dma_start3A_25 = arith.constant 0 : i32
    %dma_start3A_26 = tpu.memref_slice %arg3[%dma_start3A_24, %dma_start3A_25] : memref<8192x1024xf32, #tpu.memory_space<hbm>> -> memref<8192x1024xf32, #tpu.memory_space<hbm>>
    tpu.enqueue_indirect_dma source(%dma_start3A_26 : memref<8192x1024xf32, #tpu.memory_space<hbm>>) target(%arg10 : memref<8x1024xf32, #tpu.memory_space<vmem>>) offsets(%dma_start3A_23 : memref<8xi32, #tpu.memory_space<vmem>>) semaphore(%arg25 : memref<!tpu.dma_semaphore, #tpu.memory_space<semaphore_mem>>)
    %dma_start3A_27 = arith.constant 40 : i32
    %dma_start3A_28 = tpu.memref_slice %arg5[%dma_start3A_27] : memref<1024xi32, #tpu.memory_space<vmem>> -> memref<8xi32, #tpu.memory_space<vmem>>
    %dma_start3A_29 = arith.constant 0 : i32
    %dma_start3A_30 = arith.constant 0 : i32
    %dma_start3A_31 = tpu.memref_slice %arg3[%dma_start3A_29, %dma_start3A_30] : memref<8192x1024xf32, #tpu.memory_space<hbm>> -> memref<8192x1024xf32, #tpu.memory_space<hbm>>
    tpu.enqueue_indirect_dma source(%dma_start3A_31 : memref<8192x1024xf32, #tpu.memory_space<hbm>>) target(%arg11 : memref<8x1024xf32, #tpu.memory_space<vmem>>) offsets(%dma_start3A_28 : memref<8xi32, #tpu.memory_space<vmem>>) semaphore(%arg26 : memref<!tpu.dma_semaphore, #tpu.memory_space<semaphore_mem>>)
    %dma_start3A_32 = arith.constant 48 : i32
    %dma_start3A_33 = tpu.memref_slice %arg5[%dma_start3A_32] : memref<1024xi32, #tpu.memory_space<vmem>> -> memref<8xi32, #tpu.memory_space<vmem>>
    %dma_start3A_34 = arith.constant 0 : i32
    %dma_start3A_35 = arith.constant 0 : i32
    %dma_start3A_36 = tpu.memref_slice %arg3[%dma_start3A_34, %dma_start3A_35] : memref<8192x1024xf32, #tpu.memory_space<hbm>> -> memref<8192x1024xf32, #tpu.memory_space<hbm>>
    tpu.enqueue_indirect_dma source(%dma_start3A_36 : memref<8192x1024xf32, #tpu.memory_space<hbm>>) target(%arg12 : memref<8x1024xf32, #tpu.memory_space<vmem>>) offsets(%dma_start3A_33 : memref<8xi32, #tpu.memory_space<vmem>>) semaphore(%arg27 : memref<!tpu.dma_semaphore, #tpu.memory_space<semaphore_mem>>)
    %dma_start3A_37 = arith.constant 56 : i32
    %dma_start3A_38 = tpu.memref_slice %arg5[%dma_start3A_37] : memref<1024xi32, #tpu.memory_space<vmem>> -> memref<8xi32, #tpu.memory_space<vmem>>
    %dma_start3A_39 = arith.constant 0 : i32
    %dma_start3A_40 = arith.constant 0 : i32
    %dma_start3A_41 = tpu.memref_slice %arg3[%dma_start3A_39, %dma_start3A_40] : memref<8192x1024xf32, #tpu.memory_space<hbm>> -> memref<8192x1024xf32, #tpu.memory_space<hbm>>
    tpu.enqueue_indirect_dma source(%dma_start3A_41 : memref<8192x1024xf32, #tpu.memory_space<hbm>>) target(%arg13 : memref<8x1024xf32, #tpu.memory_space<vmem>>) offsets(%dma_start3A_38 : memref<8xi32, #tpu.memory_space<vmem>>) semaphore(%arg28 : memref<!tpu.dma_semaphore, #tpu.memory_space<semaphore_mem>>)
    %dma_start3A_42 = arith.constant 64 : i32
    %dma_start3A_43 = tpu.memref_slice %arg5[%dma_start3A_42] : memref<1024xi32, #tpu.memory_space<vmem>> -> memref<8xi32, #tpu.memory_space<vmem>>
    %dma_start3A_44 = arith.constant 0 : i32
    %dma_start3A_45 = arith.constant 0 : i32
    %dma_start3A_46 = tpu.memref_slice %arg3[%dma_start3A_44, %dma_start3A_45] : memref<8192x1024xf32, #tpu.memory_space<hbm>> -> memref<8192x1024xf32, #tpu.memory_space<hbm>>
    tpu.enqueue_indirect_dma source(%dma_start3A_46 : memref<8192x1024xf32, #tpu.memory_space<hbm>>) target(%arg14 : memref<8x1024xf32, #tpu.memory_space<vmem>>) offsets(%dma_start3A_43 : memref<8xi32, #tpu.memory_space<vmem>>) semaphore(%arg29 : memref<!tpu.dma_semaphore, #tpu.memory_space<semaphore_mem>>)
    %dma_start3A_47 = arith.constant 72 : i32
    %dma_start3A_48 = tpu.memref_slice %arg5[%dma_start3A_47] : memref<1024xi32, #tpu.memory_space<vmem>> -> memref<8xi32, #tpu.memory_space<vmem>>
    %dma_start3A_49 = arith.constant 0 : i32
    %dma_start3A_50 = arith.constant 0 : i32
    %dma_start3A_51 = tpu.memref_slice %arg3[%dma_start3A_49, %dma_start3A_50] : memref<8192x1024xf32, #tpu.memory_space<hbm>> -> memref<8192x1024xf32, #tpu.memory_space<hbm>>
    tpu.enqueue_indirect_dma source(%dma_start3A_51 : memref<8192x1024xf32, #tpu.memory_space<hbm>>) target(%arg15 : memref<8x1024xf32, #tpu.memory_space<vmem>>) offsets(%dma_start3A_48 : memref<8xi32, #tpu.memory_space<vmem>>) semaphore(%arg30 : memref<!tpu.dma_semaphore, #tpu.memory_space<semaphore_mem>>)
    %dma_start3A_52 = arith.constant 80 : i32
    %dma_start3A_53 = tpu.memref_slice %arg5[%dma_start3A_52] : memref<1024xi32, #tpu.memory_space<vmem>> -> memref<8xi32, #tpu.memory_space<vmem>>
    %dma_start3A_54 = arith.constant 0 : i32
    %dma_start3A_55 = arith.constant 0 : i32
    %dma_start3A_56 = tpu.memref_slice %arg3[%dma_start3A_54, %dma_start3A_55] : memref<8192x1024xf32, #tpu.memory_space<hbm>> -> memref<8192x1024xf32, #tpu.memory_space<hbm>>
    tpu.enqueue_indirect_dma source(%dma_start3A_56 : memref<8192x1024xf32, #tpu.memory_space<hbm>>) target(%arg16 : memref<8x1024xf32, #tpu.memory_space<vmem>>) offsets(%dma_start3A_53 : memref<8xi32, #tpu.memory_space<vmem>>) semaphore(%arg31 : memref<!tpu.dma_semaphore, #tpu.memory_space<semaphore_mem>>)
    %dma_start3A_57 = arith.constant 88 : i32
    %dma_start3A_58 = tpu.memref_slice %arg5[%dma_start3A_57] : memref<1024xi32, #tpu.memory_space<vmem>> -> memref<8xi32, #tpu.memory_space<vmem>>
    %dma_start3A_59 = arith.constant 0 : i32
    %dma_start3A_60 = arith.constant 0 : i32
    %dma_start3A_61 = tpu.memref_slice %arg3[%dma_start3A_59, %dma_start3A_60] : memref<8192x1024xf32, #tpu.memory_space<hbm>> -> memref<8192x1024xf32, #tpu.memory_space<hbm>>
    tpu.enqueue_indirect_dma source(%dma_start3A_61 : memref<8192x1024xf32, #tpu.memory_space<hbm>>) target(%arg17 : memref<8x1024xf32, #tpu.memory_space<vmem>>) offsets(%dma_start3A_58 : memref<8xi32, #tpu.memory_space<vmem>>) semaphore(%arg32 : memref<!tpu.dma_semaphore, #tpu.memory_space<semaphore_mem>>)
    %dma_start3A_62 = arith.constant 96 : i32
    %dma_start3A_63 = tpu.memref_slice %arg5[%dma_start3A_62] : memref<1024xi32, #tpu.memory_space<vmem>> -> memref<8xi32, #tpu.memory_space<vmem>>
    %dma_start3A_64 = arith.constant 0 : i32
    %dma_start3A_65 = arith.constant 0 : i32
    %dma_start3A_66 = tpu.memref_slice %arg3[%dma_start3A_64, %dma_start3A_65] : memref<8192x1024xf32, #tpu.memory_space<hbm>> -> memref<8192x1024xf32, #tpu.memory_space<hbm>>
    tpu.enqueue_indirect_dma source(%dma_start3A_66 : memref<8192x1024xf32, #tpu.memory_space<hbm>>) target(%arg18 : memref<8x1024xf32, #tpu.memory_space<vmem>>) offsets(%dma_start3A_63 : memref<8xi32, #tpu.memory_space<vmem>>) semaphore(%arg33 : memref<!tpu.dma_semaphore, #tpu.memory_space<semaphore_mem>>)
    %dma_start3A_67 = arith.constant 104 : i32
    %dma_start3A_68 = tpu.memref_slice %arg5[%dma_start3A_67] : memref<1024xi32, #tpu.memory_space<vmem>> -> memref<8xi32, #tpu.memory_space<vmem>>
    %dma_start3A_69 = arith.constant 0 : i32
    %dma_start3A_70 = arith.constant 0 : i32
    %dma_start3A_71 = tpu.memref_slice %arg3[%dma_start3A_69, %dma_start3A_70] : memref<8192x1024xf32, #tpu.memory_space<hbm>> -> memref<8192x1024xf32, #tpu.memory_space<hbm>>
    tpu.enqueue_indirect_dma source(%dma_start3A_71 : memref<8192x1024xf32, #tpu.memory_space<hbm>>) target(%arg19 : memref<8x1024xf32, #tpu.memory_space<vmem>>) offsets(%dma_start3A_68 : memref<8xi32, #tpu.memory_space<vmem>>) semaphore(%arg34 : memref<!tpu.dma_semaphore, #tpu.memory_space<semaphore_mem>>)
    %scan3A = arith.constant 0 : i32
    %scan3A_72 = arith.constant 0 : i32
    %scan3A_73 = arith.constant 8 : i32
    %scan3A_74 = arith.addi %scan3A_72, %scan3A_73 : i32
    %scan3A_75 = arith.constant 1 : i32
    scf.for %scan3A_254 = %scan3A_72 to %scan3A_74 step %scan3A_75  : i32 {
      %mul3A_255 = arith.constant 15 : i32
      %mul3A_256 = arith.muli %mul3A_255, %scan3A_254 : i32
      %add3A_257 = arith.constant 0 : i32
      %add3A_258 = arith.addi %mul3A_256, %add3A_257 : i32
      %mul3A_259 = arith.constant 8 : i32
      %mul3A_260 = arith.muli %add3A_258, %mul3A_259 : i32
      %dma_wait3A_261 = tpu.memref_slice %arg5[%mul3A_260] : memref<1024xi32, #tpu.memory_space<vmem>> -> memref<8xi32, #tpu.memory_space<vmem>>
      %dma_wait3A_262 = arith.constant 0 : i32
      %dma_wait3A_263 = arith.constant 0 : i32
      %dma_wait3A_264 = tpu.memref_slice %arg3[%dma_wait3A_262, %dma_wait3A_263] : memref<8192x1024xf32, #tpu.memory_space<hbm>> -> memref<8192x1024xf32, #tpu.memory_space<hbm>>
      tpu.wait_indirect_dma semaphore(%arg21 : memref<!tpu.dma_semaphore, #tpu.memory_space<semaphore_mem>>) src(%dma_wait3A_264 : memref<8192x1024xf32, #tpu.memory_space<hbm>>) dst(%arg6 : memref<8x1024xf32, #tpu.memory_space<vmem>>)
      %mul3A_265 = arith.constant 8 : i32
      %mul3A_266 = arith.muli %add3A_258, %mul3A_265 : i32
      %add3A_267 = arith.addi %mul3A_2, %mul3A_266 : i32
      %dma_start3A_268 = arith.constant 0 : i32
      %dma_start3A_269 = tpu.memref_slice %arg4[%add3A_267, %dma_start3A_268] : memref<32768x1024xf32, #tpu.memory_space<hbm>> -> memref<8x1024xf32, #tpu.memory_space<hbm>>
      %dma_start3A_270 = arith.constant 0 : i32
      %dma_start3A_271 = tpu.memref_slice %arg4[%add3A_267, %dma_start3A_270] : memref<32768x1024xf32, #tpu.memory_space<hbm>> -> memref<8x1024xf32, #tpu.memory_space<hbm>>
      tpu.enqueue_dma source(%arg6 : memref<8x1024xf32, #tpu.memory_space<vmem>>) target(%dma_start3A_271 : memref<8x1024xf32, #tpu.memory_space<hbm>>) target_semaphore(%arg36 : memref<!tpu.dma_semaphore, #tpu.memory_space<semaphore_mem>>)
      %add3A_272 = arith.constant 14 : i32
      %add3A_273 = arith.addi %add3A_258, %add3A_272 : i32
      %lt3A = arith.constant 128 : i32
      %lt3A_274 = arith.cmpi slt, %add3A_273, %lt3A : i32
      %convert_element_type3A = arith.extui %lt3A_274 : i1 to i32
      %cond3A = arith.constant 0 : i32
      %cond3A_275 = arith.cmpi ne, %convert_element_type3A, %cond3A : i32
      scf.if %cond3A_275 {
        %ge3A = arith.constant 15 : i32
        %ge3A_584 = arith.cmpi sge, %add3A_273, %ge3A : i32
        %convert_element_type3A_585 = arith.extui %ge3A_584 : i1 to i32
        %cond3A_586 = arith.constant 0 : i32
        %cond3A_587 = arith.cmpi ne, %convert_element_type3A_585, %cond3A_586 : i32
        scf.if %cond3A_587 {
          %sub3A = arith.constant 15 : i32
          %sub3A_594 = arith.subi %add3A_273, %sub3A : i32
          %mul3A_595 = arith.constant 8 : i32
          %mul3A_596 = arith.muli %sub3A_594, %mul3A_595 : i32
          %add3A_597 = arith.addi %mul3A_2, %mul3A_596 : i32
          %dma_wait3A_598 = arith.constant 0 : i32
          %dma_wait3A_599 = tpu.memref_slice %arg4[%add3A_597, %dma_wait3A_598] : memref<32768x1024xf32, #tpu.memory_space<hbm>> -> memref<8x1024xf32, #tpu.memory_space<hbm>>
          %dma_wait3A_600 = arith.constant 0 : i32
          %dma_wait3A_601 = tpu.memref_slice %arg4[%add3A_597, %dma_wait3A_600] : memref<32768x1024xf32, #tpu.memory_space<hbm>> -> memref<8x1024xf32, #tpu.memory_space<hbm>>
          tpu.wait_dma2 semaphore(%arg50 : memref<!tpu.dma_semaphore, #tpu.memory_space<semaphore_mem>>) src(%arg20 : memref<8x1024xf32, #tpu.memory_space<vmem>>) dst(%dma_wait3A_601 : memref<8x1024xf32, #tpu.memory_space<hbm>>)
        } else {
        }
        %mul3A_588 = arith.constant 8 : i32
        %mul3A_589 = arith.muli %add3A_273, %mul3A_588 : i32
        %dma_start3A_590 = tpu.memref_slice %arg5[%mul3A_589] : memref<1024xi32, #tpu.memory_space<vmem>> -> memref<8xi32, #tpu.memory_space<vmem>>
        %dma_start3A_591 = arith.constant 0 : i32
        %dma_start3A_592 = arith.constant 0 : i32
        %dma_start3A_593 = tpu.memref_slice %arg3[%dma_start3A_591, %dma_start3A_592] : memref<8192x1024xf32, #tpu.memory_space<hbm>> -> memref<8192x1024xf32, #tpu.memory_space<hbm>>
        tpu.enqueue_indirect_dma source(%dma_start3A_593 : memref<8192x1024xf32, #tpu.memory_space<hbm>>) target(%arg20 : memref<8x1024xf32, #tpu.memory_space<vmem>>) offsets(%dma_start3A_590 : memref<8xi32, #tpu.memory_space<vmem>>) semaphore(%arg35 : memref<!tpu.dma_semaphore, #tpu.memory_space<semaphore_mem>>)
      } else {
      }
      %add3A_276 = arith.constant 1 : i32
      %add3A_277 = arith.addi %mul3A_256, %add3A_276 : i32
      %mul3A_278 = arith.constant 8 : i32
      %mul3A_279 = arith.muli %add3A_277, %mul3A_278 : i32
      %dma_wait3A_280 = tpu.memref_slice %arg5[%mul3A_279] : memref<1024xi32, #tpu.memory_space<vmem>> -> memref<8xi32, #tpu.memory_space<vmem>>
      %dma_wait3A_281 = arith.constant 0 : i32
      %dma_wait3A_282 = arith.constant 0 : i32
      %dma_wait3A_283 = tpu.memref_slice %arg3[%dma_wait3A_281, %dma_wait3A_282] : memref<8192x1024xf32, #tpu.memory_space<hbm>> -> memref<8192x1024xf32, #tpu.memory_space<hbm>>
      tpu.wait_indirect_dma semaphore(%arg22 : memref<!tpu.dma_semaphore, #tpu.memory_space<semaphore_mem>>) src(%dma_wait3A_283 : memref<8192x1024xf32, #tpu.memory_space<hbm>>) dst(%arg7 : memref<8x1024xf32, #tpu.memory_space<vmem>>)
      %mul3A_284 = arith.constant 8 : i32
      %mul3A_285 = arith.muli %add3A_277, %mul3A_284 : i32
      %add3A_286 = arith.addi %mul3A_2, %mul3A_285 : i32
      %dma_start3A_287 = arith.constant 0 : i32
      %dma_start3A_288 = tpu.memref_slice %arg4[%add3A_286, %dma_start3A_287] : memref<32768x1024xf32, #tpu.memory_space<hbm>> -> memref<8x1024xf32, #tpu.memory_space<hbm>>
      %dma_start3A_289 = arith.constant 0 : i32
      %dma_start3A_290 = tpu.memref_slice %arg4[%add3A_286, %dma_start3A_289] : memref<32768x1024xf32, #tpu.memory_space<hbm>> -> memref<8x1024xf32, #tpu.memory_space<hbm>>
      tpu.enqueue_dma source(%arg7 : memref<8x1024xf32, #tpu.memory_space<vmem>>) target(%dma_start3A_290 : memref<8x1024xf32, #tpu.memory_space<hbm>>) target_semaphore(%arg37 : memref<!tpu.dma_semaphore, #tpu.memory_space<semaphore_mem>>)
      %add3A_291 = arith.constant 14 : i32
      %add3A_292 = arith.addi %add3A_277, %add3A_291 : i32
      %lt3A_293 = arith.constant 128 : i32
      %lt3A_294 = arith.cmpi slt, %add3A_292, %lt3A_293 : i32
      %convert_element_type3A_295 = arith.extui %lt3A_294 : i1 to i32
      %cond3A_296 = arith.constant 0 : i32
      %cond3A_297 = arith.cmpi ne, %convert_element_type3A_295, %cond3A_296 : i32
      scf.if %cond3A_297 {
        %ge3A = arith.constant 15 : i32
        %ge3A_584 = arith.cmpi sge, %add3A_292, %ge3A : i32
        %convert_element_type3A_585 = arith.extui %ge3A_584 : i1 to i32
        %cond3A_586 = arith.constant 0 : i32
        %cond3A_587 = arith.cmpi ne, %convert_element_type3A_585, %cond3A_586 : i32
        scf.if %cond3A_587 {
          %sub3A = arith.constant 15 : i32
          %sub3A_594 = arith.subi %add3A_292, %sub3A : i32
          %mul3A_595 = arith.constant 8 : i32
          %mul3A_596 = arith.muli %sub3A_594, %mul3A_595 : i32
          %add3A_597 = arith.addi %mul3A_2, %mul3A_596 : i32
          %dma_wait3A_598 = arith.constant 0 : i32
          %dma_wait3A_599 = tpu.memref_slice %arg4[%add3A_597, %dma_wait3A_598] : memref<32768x1024xf32, #tpu.memory_space<hbm>> -> memref<8x1024xf32, #tpu.memory_space<hbm>>
          %dma_wait3A_600 = arith.constant 0 : i32
          %dma_wait3A_601 = tpu.memref_slice %arg4[%add3A_597, %dma_wait3A_600] : memref<32768x1024xf32, #tpu.memory_space<hbm>> -> memref<8x1024xf32, #tpu.memory_space<hbm>>
          tpu.wait_dma2 semaphore(%arg36 : memref<!tpu.dma_semaphore, #tpu.memory_space<semaphore_mem>>) src(%arg6 : memref<8x1024xf32, #tpu.memory_space<vmem>>) dst(%dma_wait3A_601 : memref<8x1024xf32, #tpu.memory_space<hbm>>)
        } else {
        }
        %mul3A_588 = arith.constant 8 : i32
        %mul3A_589 = arith.muli %add3A_292, %mul3A_588 : i32
        %dma_start3A_590 = tpu.memref_slice %arg5[%mul3A_589] : memref<1024xi32, #tpu.memory_space<vmem>> -> memref<8xi32, #tpu.memory_space<vmem>>
        %dma_start3A_591 = arith.constant 0 : i32
        %dma_start3A_592 = arith.constant 0 : i32
        %dma_start3A_593 = tpu.memref_slice %arg3[%dma_start3A_591, %dma_start3A_592] : memref<8192x1024xf32, #tpu.memory_space<hbm>> -> memref<8192x1024xf32, #tpu.memory_space<hbm>>
        tpu.enqueue_indirect_dma source(%dma_start3A_593 : memref<8192x1024xf32, #tpu.memory_space<hbm>>) target(%arg6 : memref<8x1024xf32, #tpu.memory_space<vmem>>) offsets(%dma_start3A_590 : memref<8xi32, #tpu.memory_space<vmem>>) semaphore(%arg21 : memref<!tpu.dma_semaphore, #tpu.memory_space<semaphore_mem>>)
      } else {
      }
      %add3A_298 = arith.constant 2 : i32
      %add3A_299 = arith.addi %mul3A_256, %add3A_298 : i32
      %mul3A_300 = arith.constant 8 : i32
      %mul3A_301 = arith.muli %add3A_299, %mul3A_300 : i32
      %dma_wait3A_302 = tpu.memref_slice %arg5[%mul3A_301] : memref<1024xi32, #tpu.memory_space<vmem>> -> memref<8xi32, #tpu.memory_space<vmem>>
      %dma_wait3A_303 = arith.constant 0 : i32
      %dma_wait3A_304 = arith.constant 0 : i32
      %dma_wait3A_305 = tpu.memref_slice %arg3[%dma_wait3A_303, %dma_wait3A_304] : memref<8192x1024xf32, #tpu.memory_space<hbm>> -> memref<8192x1024xf32, #tpu.memory_space<hbm>>
      tpu.wait_indirect_dma semaphore(%arg23 : memref<!tpu.dma_semaphore, #tpu.memory_space<semaphore_mem>>) src(%dma_wait3A_305 : memref<8192x1024xf32, #tpu.memory_space<hbm>>) dst(%arg8 : memref<8x1024xf32, #tpu.memory_space<vmem>>)
      %mul3A_306 = arith.constant 8 : i32
      %mul3A_307 = arith.muli %add3A_299, %mul3A_306 : i32
      %add3A_308 = arith.addi %mul3A_2, %mul3A_307 : i32
      %dma_start3A_309 = arith.constant 0 : i32
      %dma_start3A_310 = tpu.memref_slice %arg4[%add3A_308, %dma_start3A_309] : memref<32768x1024xf32, #tpu.memory_space<hbm>> -> memref<8x1024xf32, #tpu.memory_space<hbm>>
      %dma_start3A_311 = arith.constant 0 : i32
      %dma_start3A_312 = tpu.memref_slice %arg4[%add3A_308, %dma_start3A_311] : memref<32768x1024xf32, #tpu.memory_space<hbm>> -> memref<8x1024xf32, #tpu.memory_space<hbm>>
      tpu.enqueue_dma source(%arg8 : memref<8x1024xf32, #tpu.memory_space<vmem>>) target(%dma_start3A_312 : memref<8x1024xf32, #tpu.memory_space<hbm>>) target_semaphore(%arg38 : memref<!tpu.dma_semaphore, #tpu.memory_space<semaphore_mem>>)
      %add3A_313 = arith.constant 14 : i32
      %add3A_314 = arith.addi %add3A_299, %add3A_313 : i32
      %lt3A_315 = arith.constant 128 : i32
      %lt3A_316 = arith.cmpi slt, %add3A_314, %lt3A_315 : i32
      %convert_element_type3A_317 = arith.extui %lt3A_316 : i1 to i32
      %cond3A_318 = arith.constant 0 : i32
      %cond3A_319 = arith.cmpi ne, %convert_element_type3A_317, %cond3A_318 : i32
      scf.if %cond3A_319 {
        %ge3A = arith.constant 15 : i32
        %ge3A_584 = arith.cmpi sge, %add3A_314, %ge3A : i32
        %convert_element_type3A_585 = arith.extui %ge3A_584 : i1 to i32
        %cond3A_586 = arith.constant 0 : i32
        %cond3A_587 = arith.cmpi ne, %convert_element_type3A_585, %cond3A_586 : i32
        scf.if %cond3A_587 {
          %sub3A = arith.constant 15 : i32
          %sub3A_594 = arith.subi %add3A_314, %sub3A : i32
          %mul3A_595 = arith.constant 8 : i32
          %mul3A_596 = arith.muli %sub3A_594, %mul3A_595 : i32
          %add3A_597 = arith.addi %mul3A_2, %mul3A_596 : i32
          %dma_wait3A_598 = arith.constant 0 : i32
          %dma_wait3A_599 = tpu.memref_slice %arg4[%add3A_597, %dma_wait3A_598] : memref<32768x1024xf32, #tpu.memory_space<hbm>> -> memref<8x1024xf32, #tpu.memory_space<hbm>>
          %dma_wait3A_600 = arith.constant 0 : i32
          %dma_wait3A_601 = tpu.memref_slice %arg4[%add3A_597, %dma_wait3A_600] : memref<32768x1024xf32, #tpu.memory_space<hbm>> -> memref<8x1024xf32, #tpu.memory_space<hbm>>
          tpu.wait_dma2 semaphore(%arg37 : memref<!tpu.dma_semaphore, #tpu.memory_space<semaphore_mem>>) src(%arg7 : memref<8x1024xf32, #tpu.memory_space<vmem>>) dst(%dma_wait3A_601 : memref<8x1024xf32, #tpu.memory_space<hbm>>)
        } else {
        }
        %mul3A_588 = arith.constant 8 : i32
        %mul3A_589 = arith.muli %add3A_314, %mul3A_588 : i32
        %dma_start3A_590 = tpu.memref_slice %arg5[%mul3A_589] : memref<1024xi32, #tpu.memory_space<vmem>> -> memref<8xi32, #tpu.memory_space<vmem>>
        %dma_start3A_591 = arith.constant 0 : i32
        %dma_start3A_592 = arith.constant 0 : i32
        %dma_start3A_593 = tpu.memref_slice %arg3[%dma_start3A_591, %dma_start3A_592] : memref<8192x1024xf32, #tpu.memory_space<hbm>> -> memref<8192x1024xf32, #tpu.memory_space<hbm>>
        tpu.enqueue_indirect_dma source(%dma_start3A_593 : memref<8192x1024xf32, #tpu.memory_space<hbm>>) target(%arg7 : memref<8x1024xf32, #tpu.memory_space<vmem>>) offsets(%dma_start3A_590 : memref<8xi32, #tpu.memory_space<vmem>>) semaphore(%arg22 : memref<!tpu.dma_semaphore, #tpu.memory_space<semaphore_mem>>)
      } else {
      }
      %add3A_320 = arith.constant 3 : i32
      %add3A_321 = arith.addi %mul3A_256, %add3A_320 : i32
      %mul3A_322 = arith.constant 8 : i32
      %mul3A_323 = arith.muli %add3A_321, %mul3A_322 : i32
      %dma_wait3A_324 = tpu.memref_slice %arg5[%mul3A_323] : memref<1024xi32, #tpu.memory_space<vmem>> -> memref<8xi32, #tpu.memory_space<vmem>>
      %dma_wait3A_325 = arith.constant 0 : i32
      %dma_wait3A_326 = arith.constant 0 : i32
      %dma_wait3A_327 = tpu.memref_slice %arg3[%dma_wait3A_325, %dma_wait3A_326] : memref<8192x1024xf32, #tpu.memory_space<hbm>> -> memref<8192x1024xf32, #tpu.memory_space<hbm>>
      tpu.wait_indirect_dma semaphore(%arg24 : memref<!tpu.dma_semaphore, #tpu.memory_space<semaphore_mem>>) src(%dma_wait3A_327 : memref<8192x1024xf32, #tpu.memory_space<hbm>>) dst(%arg9 : memref<8x1024xf32, #tpu.memory_space<vmem>>)
      %mul3A_328 = arith.constant 8 : i32
      %mul3A_329 = arith.muli %add3A_321, %mul3A_328 : i32
      %add3A_330 = arith.addi %mul3A_2, %mul3A_329 : i32
      %dma_start3A_331 = arith.constant 0 : i32
      %dma_start3A_332 = tpu.memref_slice %arg4[%add3A_330, %dma_start3A_331] : memref<32768x1024xf32, #tpu.memory_space<hbm>> -> memref<8x1024xf32, #tpu.memory_space<hbm>>
      %dma_start3A_333 = arith.constant 0 : i32
      %dma_start3A_334 = tpu.memref_slice %arg4[%add3A_330, %dma_start3A_333] : memref<32768x1024xf32, #tpu.memory_space<hbm>> -> memref<8x1024xf32, #tpu.memory_space<hbm>>
      tpu.enqueue_dma source(%arg9 : memref<8x1024xf32, #tpu.memory_space<vmem>>) target(%dma_start3A_334 : memref<8x1024xf32, #tpu.memory_space<hbm>>) target_semaphore(%arg39 : memref<!tpu.dma_semaphore, #tpu.memory_space<semaphore_mem>>)
      %add3A_335 = arith.constant 14 : i32
      %add3A_336 = arith.addi %add3A_321, %add3A_335 : i32
      %lt3A_337 = arith.constant 128 : i32
      %lt3A_338 = arith.cmpi slt, %add3A_336, %lt3A_337 : i32
      %convert_element_type3A_339 = arith.extui %lt3A_338 : i1 to i32
      %cond3A_340 = arith.constant 0 : i32
      %cond3A_341 = arith.cmpi ne, %convert_element_type3A_339, %cond3A_340 : i32
      scf.if %cond3A_341 {
        %ge3A = arith.constant 15 : i32
        %ge3A_584 = arith.cmpi sge, %add3A_336, %ge3A : i32
        %convert_element_type3A_585 = arith.extui %ge3A_584 : i1 to i32
        %cond3A_586 = arith.constant 0 : i32
        %cond3A_587 = arith.cmpi ne, %convert_element_type3A_585, %cond3A_586 : i32
        scf.if %cond3A_587 {
          %sub3A = arith.constant 15 : i32
          %sub3A_594 = arith.subi %add3A_336, %sub3A : i32
          %mul3A_595 = arith.constant 8 : i32
          %mul3A_596 = arith.muli %sub3A_594, %mul3A_595 : i32
          %add3A_597 = arith.addi %mul3A_2, %mul3A_596 : i32
          %dma_wait3A_598 = arith.constant 0 : i32
          %dma_wait3A_599 = tpu.memref_slice %arg4[%add3A_597, %dma_wait3A_598] : memref<32768x1024xf32, #tpu.memory_space<hbm>> -> memref<8x1024xf32, #tpu.memory_space<hbm>>
          %dma_wait3A_600 = arith.constant 0 : i32
          %dma_wait3A_601 = tpu.memref_slice %arg4[%add3A_597, %dma_wait3A_600] : memref<32768x1024xf32, #tpu.memory_space<hbm>> -> memref<8x1024xf32, #tpu.memory_space<hbm>>
          tpu.wait_dma2 semaphore(%arg38 : memref<!tpu.dma_semaphore, #tpu.memory_space<semaphore_mem>>) src(%arg8 : memref<8x1024xf32, #tpu.memory_space<vmem>>) dst(%dma_wait3A_601 : memref<8x1024xf32, #tpu.memory_space<hbm>>)
        } else {
        }
        %mul3A_588 = arith.constant 8 : i32
        %mul3A_589 = arith.muli %add3A_336, %mul3A_588 : i32
        %dma_start3A_590 = tpu.memref_slice %arg5[%mul3A_589] : memref<1024xi32, #tpu.memory_space<vmem>> -> memref<8xi32, #tpu.memory_space<vmem>>
        %dma_start3A_591 = arith.constant 0 : i32
        %dma_start3A_592 = arith.constant 0 : i32
        %dma_start3A_593 = tpu.memref_slice %arg3[%dma_start3A_591, %dma_start3A_592] : memref<8192x1024xf32, #tpu.memory_space<hbm>> -> memref<8192x1024xf32, #tpu.memory_space<hbm>>
        tpu.enqueue_indirect_dma source(%dma_start3A_593 : memref<8192x1024xf32, #tpu.memory_space<hbm>>) target(%arg8 : memref<8x1024xf32, #tpu.memory_space<vmem>>) offsets(%dma_start3A_590 : memref<8xi32, #tpu.memory_space<vmem>>) semaphore(%arg23 : memref<!tpu.dma_semaphore, #tpu.memory_space<semaphore_mem>>)
      } else {
      }
      %add3A_342 = arith.constant 4 : i32
      %add3A_343 = arith.addi %mul3A_256, %add3A_342 : i32
      %mul3A_344 = arith.constant 8 : i32
      %mul3A_345 = arith.muli %add3A_343, %mul3A_344 : i32
      %dma_wait3A_346 = tpu.memref_slice %arg5[%mul3A_345] : memref<1024xi32, #tpu.memory_space<vmem>> -> memref<8xi32, #tpu.memory_space<vmem>>
      %dma_wait3A_347 = arith.constant 0 : i32
      %dma_wait3A_348 = arith.constant 0 : i32
      %dma_wait3A_349 = tpu.memref_slice %arg3[%dma_wait3A_347, %dma_wait3A_348] : memref<8192x1024xf32, #tpu.memory_space<hbm>> -> memref<8192x1024xf32, #tpu.memory_space<hbm>>
      tpu.wait_indirect_dma semaphore(%arg25 : memref<!tpu.dma_semaphore, #tpu.memory_space<semaphore_mem>>) src(%dma_wait3A_349 : memref<8192x1024xf32, #tpu.memory_space<hbm>>) dst(%arg10 : memref<8x1024xf32, #tpu.memory_space<vmem>>)
      %mul3A_350 = arith.constant 8 : i32
      %mul3A_351 = arith.muli %add3A_343, %mul3A_350 : i32
      %add3A_352 = arith.addi %mul3A_2, %mul3A_351 : i32
      %dma_start3A_353 = arith.constant 0 : i32
      %dma_start3A_354 = tpu.memref_slice %arg4[%add3A_352, %dma_start3A_353] : memref<32768x1024xf32, #tpu.memory_space<hbm>> -> memref<8x1024xf32, #tpu.memory_space<hbm>>
      %dma_start3A_355 = arith.constant 0 : i32
      %dma_start3A_356 = tpu.memref_slice %arg4[%add3A_352, %dma_start3A_355] : memref<32768x1024xf32, #tpu.memory_space<hbm>> -> memref<8x1024xf32, #tpu.memory_space<hbm>>
      tpu.enqueue_dma source(%arg10 : memref<8x1024xf32, #tpu.memory_space<vmem>>) target(%dma_start3A_356 : memref<8x1024xf32, #tpu.memory_space<hbm>>) target_semaphore(%arg40 : memref<!tpu.dma_semaphore, #tpu.memory_space<semaphore_mem>>)
      %add3A_357 = arith.constant 14 : i32
      %add3A_358 = arith.addi %add3A_343, %add3A_357 : i32
      %lt3A_359 = arith.constant 128 : i32
      %lt3A_360 = arith.cmpi slt, %add3A_358, %lt3A_359 : i32
      %convert_element_type3A_361 = arith.extui %lt3A_360 : i1 to i32
      %cond3A_362 = arith.constant 0 : i32
      %cond3A_363 = arith.cmpi ne, %convert_element_type3A_361, %cond3A_362 : i32
      scf.if %cond3A_363 {
        %ge3A = arith.constant 15 : i32
        %ge3A_584 = arith.cmpi sge, %add3A_358, %ge3A : i32
        %convert_element_type3A_585 = arith.extui %ge3A_584 : i1 to i32
        %cond3A_586 = arith.constant 0 : i32
        %cond3A_587 = arith.cmpi ne, %convert_element_type3A_585, %cond3A_586 : i32
        scf.if %cond3A_587 {
          %sub3A = arith.constant 15 : i32
          %sub3A_594 = arith.subi %add3A_358, %sub3A : i32
          %mul3A_595 = arith.constant 8 : i32
          %mul3A_596 = arith.muli %sub3A_594, %mul3A_595 : i32
          %add3A_597 = arith.addi %mul3A_2, %mul3A_596 : i32
          %dma_wait3A_598 = arith.constant 0 : i32
          %dma_wait3A_599 = tpu.memref_slice %arg4[%add3A_597, %dma_wait3A_598] : memref<32768x1024xf32, #tpu.memory_space<hbm>> -> memref<8x1024xf32, #tpu.memory_space<hbm>>
          %dma_wait3A_600 = arith.constant 0 : i32
          %dma_wait3A_601 = tpu.memref_slice %arg4[%add3A_597, %dma_wait3A_600] : memref<32768x1024xf32, #tpu.memory_space<hbm>> -> memref<8x1024xf32, #tpu.memory_space<hbm>>
          tpu.wait_dma2 semaphore(%arg39 : memref<!tpu.dma_semaphore, #tpu.memory_space<semaphore_mem>>) src(%arg9 : memref<8x1024xf32, #tpu.memory_space<vmem>>) dst(%dma_wait3A_601 : memref<8x1024xf32, #tpu.memory_space<hbm>>)
        } else {
        }
        %mul3A_588 = arith.constant 8 : i32
        %mul3A_589 = arith.muli %add3A_358, %mul3A_588 : i32
        %dma_start3A_590 = tpu.memref_slice %arg5[%mul3A_589] : memref<1024xi32, #tpu.memory_space<vmem>> -> memref<8xi32, #tpu.memory_space<vmem>>
        %dma_start3A_591 = arith.constant 0 : i32
        %dma_start3A_592 = arith.constant 0 : i32
        %dma_start3A_593 = tpu.memref_slice %arg3[%dma_start3A_591, %dma_start3A_592] : memref<8192x1024xf32, #tpu.memory_space<hbm>> -> memref<8192x1024xf32, #tpu.memory_space<hbm>>
        tpu.enqueue_indirect_dma source(%dma_start3A_593 : memref<8192x1024xf32, #tpu.memory_space<hbm>>) target(%arg9 : memref<8x1024xf32, #tpu.memory_space<vmem>>) offsets(%dma_start3A_590 : memref<8xi32, #tpu.memory_space<vmem>>) semaphore(%arg24 : memref<!tpu.dma_semaphore, #tpu.memory_space<semaphore_mem>>)
      } else {
      }
      %add3A_364 = arith.constant 5 : i32
      %add3A_365 = arith.addi %mul3A_256, %add3A_364 : i32
      %mul3A_366 = arith.constant 8 : i32
      %mul3A_367 = arith.muli %add3A_365, %mul3A_366 : i32
      %dma_wait3A_368 = tpu.memref_slice %arg5[%mul3A_367] : memref<1024xi32, #tpu.memory_space<vmem>> -> memref<8xi32, #tpu.memory_space<vmem>>
      %dma_wait3A_369 = arith.constant 0 : i32
      %dma_wait3A_370 = arith.constant 0 : i32
      %dma_wait3A_371 = tpu.memref_slice %arg3[%dma_wait3A_369, %dma_wait3A_370] : memref<8192x1024xf32, #tpu.memory_space<hbm>> -> memref<8192x1024xf32, #tpu.memory_space<hbm>>
      tpu.wait_indirect_dma semaphore(%arg26 : memref<!tpu.dma_semaphore, #tpu.memory_space<semaphore_mem>>) src(%dma_wait3A_371 : memref<8192x1024xf32, #tpu.memory_space<hbm>>) dst(%arg11 : memref<8x1024xf32, #tpu.memory_space<vmem>>)
      %mul3A_372 = arith.constant 8 : i32
      %mul3A_373 = arith.muli %add3A_365, %mul3A_372 : i32
      %add3A_374 = arith.addi %mul3A_2, %mul3A_373 : i32
      %dma_start3A_375 = arith.constant 0 : i32
      %dma_start3A_376 = tpu.memref_slice %arg4[%add3A_374, %dma_start3A_375] : memref<32768x1024xf32, #tpu.memory_space<hbm>> -> memref<8x1024xf32, #tpu.memory_space<hbm>>
      %dma_start3A_377 = arith.constant 0 : i32
      %dma_start3A_378 = tpu.memref_slice %arg4[%add3A_374, %dma_start3A_377] : memref<32768x1024xf32, #tpu.memory_space<hbm>> -> memref<8x1024xf32, #tpu.memory_space<hbm>>
      tpu.enqueue_dma source(%arg11 : memref<8x1024xf32, #tpu.memory_space<vmem>>) target(%dma_start3A_378 : memref<8x1024xf32, #tpu.memory_space<hbm>>) target_semaphore(%arg41 : memref<!tpu.dma_semaphore, #tpu.memory_space<semaphore_mem>>)
      %add3A_379 = arith.constant 14 : i32
      %add3A_380 = arith.addi %add3A_365, %add3A_379 : i32
      %lt3A_381 = arith.constant 128 : i32
      %lt3A_382 = arith.cmpi slt, %add3A_380, %lt3A_381 : i32
      %convert_element_type3A_383 = arith.extui %lt3A_382 : i1 to i32
      %cond3A_384 = arith.constant 0 : i32
      %cond3A_385 = arith.cmpi ne, %convert_element_type3A_383, %cond3A_384 : i32
      scf.if %cond3A_385 {
        %ge3A = arith.constant 15 : i32
        %ge3A_584 = arith.cmpi sge, %add3A_380, %ge3A : i32
        %convert_element_type3A_585 = arith.extui %ge3A_584 : i1 to i32
        %cond3A_586 = arith.constant 0 : i32
        %cond3A_587 = arith.cmpi ne, %convert_element_type3A_585, %cond3A_586 : i32
        scf.if %cond3A_587 {
          %sub3A = arith.constant 15 : i32
          %sub3A_594 = arith.subi %add3A_380, %sub3A : i32
          %mul3A_595 = arith.constant 8 : i32
          %mul3A_596 = arith.muli %sub3A_594, %mul3A_595 : i32
          %add3A_597 = arith.addi %mul3A_2, %mul3A_596 : i32
          %dma_wait3A_598 = arith.constant 0 : i32
          %dma_wait3A_599 = tpu.memref_slice %arg4[%add3A_597, %dma_wait3A_598] : memref<32768x1024xf32, #tpu.memory_space<hbm>> -> memref<8x1024xf32, #tpu.memory_space<hbm>>
          %dma_wait3A_600 = arith.constant 0 : i32
          %dma_wait3A_601 = tpu.memref_slice %arg4[%add3A_597, %dma_wait3A_600] : memref<32768x1024xf32, #tpu.memory_space<hbm>> -> memref<8x1024xf32, #tpu.memory_space<hbm>>
          tpu.wait_dma2 semaphore(%arg40 : memref<!tpu.dma_semaphore, #tpu.memory_space<semaphore_mem>>) src(%arg10 : memref<8x1024xf32, #tpu.memory_space<vmem>>) dst(%dma_wait3A_601 : memref<8x1024xf32, #tpu.memory_space<hbm>>)
        } else {
        }
        %mul3A_588 = arith.constant 8 : i32
        %mul3A_589 = arith.muli %add3A_380, %mul3A_588 : i32
        %dma_start3A_590 = tpu.memref_slice %arg5[%mul3A_589] : memref<1024xi32, #tpu.memory_space<vmem>> -> memref<8xi32, #tpu.memory_space<vmem>>
        %dma_start3A_591 = arith.constant 0 : i32
        %dma_start3A_592 = arith.constant 0 : i32
        %dma_start3A_593 = tpu.memref_slice %arg3[%dma_start3A_591, %dma_start3A_592] : memref<8192x1024xf32, #tpu.memory_space<hbm>> -> memref<8192x1024xf32, #tpu.memory_space<hbm>>
        tpu.enqueue_indirect_dma source(%dma_start3A_593 : memref<8192x1024xf32, #tpu.memory_space<hbm>>) target(%arg10 : memref<8x1024xf32, #tpu.memory_space<vmem>>) offsets(%dma_start3A_590 : memref<8xi32, #tpu.memory_space<vmem>>) semaphore(%arg25 : memref<!tpu.dma_semaphore, #tpu.memory_space<semaphore_mem>>)
      } else {
      }
      %add3A_386 = arith.constant 6 : i32
      %add3A_387 = arith.addi %mul3A_256, %add3A_386 : i32
      %mul3A_388 = arith.constant 8 : i32
      %mul3A_389 = arith.muli %add3A_387, %mul3A_388 : i32
      %dma_wait3A_390 = tpu.memref_slice %arg5[%mul3A_389] : memref<1024xi32, #tpu.memory_space<vmem>> -> memref<8xi32, #tpu.memory_space<vmem>>
      %dma_wait3A_391 = arith.constant 0 : i32
      %dma_wait3A_392 = arith.constant 0 : i32
      %dma_wait3A_393 = tpu.memref_slice %arg3[%dma_wait3A_391, %dma_wait3A_392] : memref<8192x1024xf32, #tpu.memory_space<hbm>> -> memref<8192x1024xf32, #tpu.memory_space<hbm>>
      tpu.wait_indirect_dma semaphore(%arg27 : memref<!tpu.dma_semaphore, #tpu.memory_space<semaphore_mem>>) src(%dma_wait3A_393 : memref<8192x1024xf32, #tpu.memory_space<hbm>>) dst(%arg12 : memref<8x1024xf32, #tpu.memory_space<vmem>>)
      %mul3A_394 = arith.constant 8 : i32
      %mul3A_395 = arith.muli %add3A_387, %mul3A_394 : i32
      %add3A_396 = arith.addi %mul3A_2, %mul3A_395 : i32
      %dma_start3A_397 = arith.constant 0 : i32
      %dma_start3A_398 = tpu.memref_slice %arg4[%add3A_396, %dma_start3A_397] : memref<32768x1024xf32, #tpu.memory_space<hbm>> -> memref<8x1024xf32, #tpu.memory_space<hbm>>
      %dma_start3A_399 = arith.constant 0 : i32
      %dma_start3A_400 = tpu.memref_slice %arg4[%add3A_396, %dma_start3A_399] : memref<32768x1024xf32, #tpu.memory_space<hbm>> -> memref<8x1024xf32, #tpu.memory_space<hbm>>
      tpu.enqueue_dma source(%arg12 : memref<8x1024xf32, #tpu.memory_space<vmem>>) target(%dma_start3A_400 : memref<8x1024xf32, #tpu.memory_space<hbm>>) target_semaphore(%arg42 : memref<!tpu.dma_semaphore, #tpu.memory_space<semaphore_mem>>)
      %add3A_401 = arith.constant 14 : i32
      %add3A_402 = arith.addi %add3A_387, %add3A_401 : i32
      %lt3A_403 = arith.constant 128 : i32
      %lt3A_404 = arith.cmpi slt, %add3A_402, %lt3A_403 : i32
      %convert_element_type3A_405 = arith.extui %lt3A_404 : i1 to i32
      %cond3A_406 = arith.constant 0 : i32
      %cond3A_407 = arith.cmpi ne, %convert_element_type3A_405, %cond3A_406 : i32
      scf.if %cond3A_407 {
        %ge3A = arith.constant 15 : i32
        %ge3A_584 = arith.cmpi sge, %add3A_402, %ge3A : i32
        %convert_element_type3A_585 = arith.extui %ge3A_584 : i1 to i32
        %cond3A_586 = arith.constant 0 : i32
        %cond3A_587 = arith.cmpi ne, %convert_element_type3A_585, %cond3A_586 : i32
        scf.if %cond3A_587 {
          %sub3A = arith.constant 15 : i32
          %sub3A_594 = arith.subi %add3A_402, %sub3A : i32
          %mul3A_595 = arith.constant 8 : i32
          %mul3A_596 = arith.muli %sub3A_594, %mul3A_595 : i32
          %add3A_597 = arith.addi %mul3A_2, %mul3A_596 : i32
          %dma_wait3A_598 = arith.constant 0 : i32
          %dma_wait3A_599 = tpu.memref_slice %arg4[%add3A_597, %dma_wait3A_598] : memref<32768x1024xf32, #tpu.memory_space<hbm>> -> memref<8x1024xf32, #tpu.memory_space<hbm>>
          %dma_wait3A_600 = arith.constant 0 : i32
          %dma_wait3A_601 = tpu.memref_slice %arg4[%add3A_597, %dma_wait3A_600] : memref<32768x1024xf32, #tpu.memory_space<hbm>> -> memref<8x1024xf32, #tpu.memory_space<hbm>>
          tpu.wait_dma2 semaphore(%arg41 : memref<!tpu.dma_semaphore, #tpu.memory_space<semaphore_mem>>) src(%arg11 : memref<8x1024xf32, #tpu.memory_space<vmem>>) dst(%dma_wait3A_601 : memref<8x1024xf32, #tpu.memory_space<hbm>>)
        } else {
        }
        %mul3A_588 = arith.constant 8 : i32
        %mul3A_589 = arith.muli %add3A_402, %mul3A_588 : i32
        %dma_start3A_590 = tpu.memref_slice %arg5[%mul3A_589] : memref<1024xi32, #tpu.memory_space<vmem>> -> memref<8xi32, #tpu.memory_space<vmem>>
        %dma_start3A_591 = arith.constant 0 : i32
        %dma_start3A_592 = arith.constant 0 : i32
        %dma_start3A_593 = tpu.memref_slice %arg3[%dma_start3A_591, %dma_start3A_592] : memref<8192x1024xf32, #tpu.memory_space<hbm>> -> memref<8192x1024xf32, #tpu.memory_space<hbm>>
        tpu.enqueue_indirect_dma source(%dma_start3A_593 : memref<8192x1024xf32, #tpu.memory_space<hbm>>) target(%arg11 : memref<8x1024xf32, #tpu.memory_space<vmem>>) offsets(%dma_start3A_590 : memref<8xi32, #tpu.memory_space<vmem>>) semaphore(%arg26 : memref<!tpu.dma_semaphore, #tpu.memory_space<semaphore_mem>>)
      } else {
      }
      %add3A_408 = arith.constant 7 : i32
      %add3A_409 = arith.addi %mul3A_256, %add3A_408 : i32
      %mul3A_410 = arith.constant 8 : i32
      %mul3A_411 = arith.muli %add3A_409, %mul3A_410 : i32
      %dma_wait3A_412 = tpu.memref_slice %arg5[%mul3A_411] : memref<1024xi32, #tpu.memory_space<vmem>> -> memref<8xi32, #tpu.memory_space<vmem>>
      %dma_wait3A_413 = arith.constant 0 : i32
      %dma_wait3A_414 = arith.constant 0 : i32
      %dma_wait3A_415 = tpu.memref_slice %arg3[%dma_wait3A_413, %dma_wait3A_414] : memref<8192x1024xf32, #tpu.memory_space<hbm>> -> memref<8192x1024xf32, #tpu.memory_space<hbm>>
      tpu.wait_indirect_dma semaphore(%arg28 : memref<!tpu.dma_semaphore, #tpu.memory_space<semaphore_mem>>) src(%dma_wait3A_415 : memref<8192x1024xf32, #tpu.memory_space<hbm>>) dst(%arg13 : memref<8x1024xf32, #tpu.memory_space<vmem>>)
      %mul3A_416 = arith.constant 8 : i32
      %mul3A_417 = arith.muli %add3A_409, %mul3A_416 : i32
      %add3A_418 = arith.addi %mul3A_2, %mul3A_417 : i32
      %dma_start3A_419 = arith.constant 0 : i32
      %dma_start3A_420 = tpu.memref_slice %arg4[%add3A_418, %dma_start3A_419] : memref<32768x1024xf32, #tpu.memory_space<hbm>> -> memref<8x1024xf32, #tpu.memory_space<hbm>>
      %dma_start3A_421 = arith.constant 0 : i32
      %dma_start3A_422 = tpu.memref_slice %arg4[%add3A_418, %dma_start3A_421] : memref<32768x1024xf32, #tpu.memory_space<hbm>> -> memref<8x1024xf32, #tpu.memory_space<hbm>>
      tpu.enqueue_dma source(%arg13 : memref<8x1024xf32, #tpu.memory_space<vmem>>) target(%dma_start3A_422 : memref<8x1024xf32, #tpu.memory_space<hbm>>) target_semaphore(%arg43 : memref<!tpu.dma_semaphore, #tpu.memory_space<semaphore_mem>>)
      %add3A_423 = arith.constant 14 : i32
      %add3A_424 = arith.addi %add3A_409, %add3A_423 : i32
      %lt3A_425 = arith.constant 128 : i32
      %lt3A_426 = arith.cmpi slt, %add3A_424, %lt3A_425 : i32
      %convert_element_type3A_427 = arith.extui %lt3A_426 : i1 to i32
      %cond3A_428 = arith.constant 0 : i32
      %cond3A_429 = arith.cmpi ne, %convert_element_type3A_427, %cond3A_428 : i32
      scf.if %cond3A_429 {
        %ge3A = arith.constant 15 : i32
        %ge3A_584 = arith.cmpi sge, %add3A_424, %ge3A : i32
        %convert_element_type3A_585 = arith.extui %ge3A_584 : i1 to i32
        %cond3A_586 = arith.constant 0 : i32
        %cond3A_587 = arith.cmpi ne, %convert_element_type3A_585, %cond3A_586 : i32
        scf.if %cond3A_587 {
          %sub3A = arith.constant 15 : i32
          %sub3A_594 = arith.subi %add3A_424, %sub3A : i32
          %mul3A_595 = arith.constant 8 : i32
          %mul3A_596 = arith.muli %sub3A_594, %mul3A_595 : i32
          %add3A_597 = arith.addi %mul3A_2, %mul3A_596 : i32
          %dma_wait3A_598 = arith.constant 0 : i32
          %dma_wait3A_599 = tpu.memref_slice %arg4[%add3A_597, %dma_wait3A_598] : memref<32768x1024xf32, #tpu.memory_space<hbm>> -> memref<8x1024xf32, #tpu.memory_space<hbm>>
          %dma_wait3A_600 = arith.constant 0 : i32
          %dma_wait3A_601 = tpu.memref_slice %arg4[%add3A_597, %dma_wait3A_600] : memref<32768x1024xf32, #tpu.memory_space<hbm>> -> memref<8x1024xf32, #tpu.memory_space<hbm>>
          tpu.wait_dma2 semaphore(%arg42 : memref<!tpu.dma_semaphore, #tpu.memory_space<semaphore_mem>>) src(%arg12 : memref<8x1024xf32, #tpu.memory_space<vmem>>) dst(%dma_wait3A_601 : memref<8x1024xf32, #tpu.memory_space<hbm>>)
        } else {
        }
        %mul3A_588 = arith.constant 8 : i32
        %mul3A_589 = arith.muli %add3A_424, %mul3A_588 : i32
        %dma_start3A_590 = tpu.memref_slice %arg5[%mul3A_589] : memref<1024xi32, #tpu.memory_space<vmem>> -> memref<8xi32, #tpu.memory_space<vmem>>
        %dma_start3A_591 = arith.constant 0 : i32
        %dma_start3A_592 = arith.constant 0 : i32
        %dma_start3A_593 = tpu.memref_slice %arg3[%dma_start3A_591, %dma_start3A_592] : memref<8192x1024xf32, #tpu.memory_space<hbm>> -> memref<8192x1024xf32, #tpu.memory_space<hbm>>
        tpu.enqueue_indirect_dma source(%dma_start3A_593 : memref<8192x1024xf32, #tpu.memory_space<hbm>>) target(%arg12 : memref<8x1024xf32, #tpu.memory_space<vmem>>) offsets(%dma_start3A_590 : memref<8xi32, #tpu.memory_space<vmem>>) semaphore(%arg27 : memref<!tpu.dma_semaphore, #tpu.memory_space<semaphore_mem>>)
      } else {
      }
      %add3A_430 = arith.constant 8 : i32
      %add3A_431 = arith.addi %mul3A_256, %add3A_430 : i32
      %mul3A_432 = arith.constant 8 : i32
      %mul3A_433 = arith.muli %add3A_431, %mul3A_432 : i32
      %dma_wait3A_434 = tpu.memref_slice %arg5[%mul3A_433] : memref<1024xi32, #tpu.memory_space<vmem>> -> memref<8xi32, #tpu.memory_space<vmem>>
      %dma_wait3A_435 = arith.constant 0 : i32
      %dma_wait3A_436 = arith.constant 0 : i32
      %dma_wait3A_437 = tpu.memref_slice %arg3[%dma_wait3A_435, %dma_wait3A_436] : memref<8192x1024xf32, #tpu.memory_space<hbm>> -> memref<8192x1024xf32, #tpu.memory_space<hbm>>
      tpu.wait_indirect_dma semaphore(%arg29 : memref<!tpu.dma_semaphore, #tpu.memory_space<semaphore_mem>>) src(%dma_wait3A_437 : memref<8192x1024xf32, #tpu.memory_space<hbm>>) dst(%arg14 : memref<8x1024xf32, #tpu.memory_space<vmem>>)
      %mul3A_438 = arith.constant 8 : i32
      %mul3A_439 = arith.muli %add3A_431, %mul3A_438 : i32
      %add3A_440 = arith.addi %mul3A_2, %mul3A_439 : i32
      %dma_start3A_441 = arith.constant 0 : i32
      %dma_start3A_442 = tpu.memref_slice %arg4[%add3A_440, %dma_start3A_441] : memref<32768x1024xf32, #tpu.memory_space<hbm>> -> memref<8x1024xf32, #tpu.memory_space<hbm>>
      %dma_start3A_443 = arith.constant 0 : i32
      %dma_start3A_444 = tpu.memref_slice %arg4[%add3A_440, %dma_start3A_443] : memref<32768x1024xf32, #tpu.memory_space<hbm>> -> memref<8x1024xf32, #tpu.memory_space<hbm>>
      tpu.enqueue_dma source(%arg14 : memref<8x1024xf32, #tpu.memory_space<vmem>>) target(%dma_start3A_444 : memref<8x1024xf32, #tpu.memory_space<hbm>>) target_semaphore(%arg44 : memref<!tpu.dma_semaphore, #tpu.memory_space<semaphore_mem>>)
      %add3A_445 = arith.constant 14 : i32
      %add3A_446 = arith.addi %add3A_431, %add3A_445 : i32
      %lt3A_447 = arith.constant 128 : i32
      %lt3A_448 = arith.cmpi slt, %add3A_446, %lt3A_447 : i32
      %convert_element_type3A_449 = arith.extui %lt3A_448 : i1 to i32
      %cond3A_450 = arith.constant 0 : i32
      %cond3A_451 = arith.cmpi ne, %convert_element_type3A_449, %cond3A_450 : i32
      scf.if %cond3A_451 {
        %ge3A = arith.constant 15 : i32
        %ge3A_584 = arith.cmpi sge, %add3A_446, %ge3A : i32
        %convert_element_type3A_585 = arith.extui %ge3A_584 : i1 to i32
        %cond3A_586 = arith.constant 0 : i32
        %cond3A_587 = arith.cmpi ne, %convert_element_type3A_585, %cond3A_586 : i32
        scf.if %cond3A_587 {
          %sub3A = arith.constant 15 : i32
          %sub3A_594 = arith.subi %add3A_446, %sub3A : i32
          %mul3A_595 = arith.constant 8 : i32
          %mul3A_596 = arith.muli %sub3A_594, %mul3A_595 : i32
          %add3A_597 = arith.addi %mul3A_2, %mul3A_596 : i32
          %dma_wait3A_598 = arith.constant 0 : i32
          %dma_wait3A_599 = tpu.memref_slice %arg4[%add3A_597, %dma_wait3A_598] : memref<32768x1024xf32, #tpu.memory_space<hbm>> -> memref<8x1024xf32, #tpu.memory_space<hbm>>
          %dma_wait3A_600 = arith.constant 0 : i32
          %dma_wait3A_601 = tpu.memref_slice %arg4[%add3A_597, %dma_wait3A_600] : memref<32768x1024xf32, #tpu.memory_space<hbm>> -> memref<8x1024xf32, #tpu.memory_space<hbm>>
          tpu.wait_dma2 semaphore(%arg43 : memref<!tpu.dma_semaphore, #tpu.memory_space<semaphore_mem>>) src(%arg13 : memref<8x1024xf32, #tpu.memory_space<vmem>>) dst(%dma_wait3A_601 : memref<8x1024xf32, #tpu.memory_space<hbm>>)
        } else {
        }
        %mul3A_588 = arith.constant 8 : i32
        %mul3A_589 = arith.muli %add3A_446, %mul3A_588 : i32
        %dma_start3A_590 = tpu.memref_slice %arg5[%mul3A_589] : memref<1024xi32, #tpu.memory_space<vmem>> -> memref<8xi32, #tpu.memory_space<vmem>>
        %dma_start3A_591 = arith.constant 0 : i32
        %dma_start3A_592 = arith.constant 0 : i32
        %dma_start3A_593 = tpu.memref_slice %arg3[%dma_start3A_591, %dma_start3A_592] : memref<8192x1024xf32, #tpu.memory_space<hbm>> -> memref<8192x1024xf32, #tpu.memory_space<hbm>>
        tpu.enqueue_indirect_dma source(%dma_start3A_593 : memref<8192x1024xf32, #tpu.memory_space<hbm>>) target(%arg13 : memref<8x1024xf32, #tpu.memory_space<vmem>>) offsets(%dma_start3A_590 : memref<8xi32, #tpu.memory_space<vmem>>) semaphore(%arg28 : memref<!tpu.dma_semaphore, #tpu.memory_space<semaphore_mem>>)
      } else {
      }
      %add3A_452 = arith.constant 9 : i32
      %add3A_453 = arith.addi %mul3A_256, %add3A_452 : i32
      %mul3A_454 = arith.constant 8 : i32
      %mul3A_455 = arith.muli %add3A_453, %mul3A_454 : i32
      %dma_wait3A_456 = tpu.memref_slice %arg5[%mul3A_455] : memref<1024xi32, #tpu.memory_space<vmem>> -> memref<8xi32, #tpu.memory_space<vmem>>
      %dma_wait3A_457 = arith.constant 0 : i32
      %dma_wait3A_458 = arith.constant 0 : i32
      %dma_wait3A_459 = tpu.memref_slice %arg3[%dma_wait3A_457, %dma_wait3A_458] : memref<8192x1024xf32, #tpu.memory_space<hbm>> -> memref<8192x1024xf32, #tpu.memory_space<hbm>>
      tpu.wait_indirect_dma semaphore(%arg30 : memref<!tpu.dma_semaphore, #tpu.memory_space<semaphore_mem>>) src(%dma_wait3A_459 : memref<8192x1024xf32, #tpu.memory_space<hbm>>) dst(%arg15 : memref<8x1024xf32, #tpu.memory_space<vmem>>)
      %mul3A_460 = arith.constant 8 : i32
      %mul3A_461 = arith.muli %add3A_453, %mul3A_460 : i32
      %add3A_462 = arith.addi %mul3A_2, %mul3A_461 : i32
      %dma_start3A_463 = arith.constant 0 : i32
      %dma_start3A_464 = tpu.memref_slice %arg4[%add3A_462, %dma_start3A_463] : memref<32768x1024xf32, #tpu.memory_space<hbm>> -> memref<8x1024xf32, #tpu.memory_space<hbm>>
      %dma_start3A_465 = arith.constant 0 : i32
      %dma_start3A_466 = tpu.memref_slice %arg4[%add3A_462, %dma_start3A_465] : memref<32768x1024xf32, #tpu.memory_space<hbm>> -> memref<8x1024xf32, #tpu.memory_space<hbm>>
      tpu.enqueue_dma source(%arg15 : memref<8x1024xf32, #tpu.memory_space<vmem>>) target(%dma_start3A_466 : memref<8x1024xf32, #tpu.memory_space<hbm>>) target_semaphore(%arg45 : memref<!tpu.dma_semaphore, #tpu.memory_space<semaphore_mem>>)
      %add3A_467 = arith.constant 14 : i32
      %add3A_468 = arith.addi %add3A_453, %add3A_467 : i32
      %lt3A_469 = arith.constant 128 : i32
      %lt3A_470 = arith.cmpi slt, %add3A_468, %lt3A_469 : i32
      %convert_element_type3A_471 = arith.extui %lt3A_470 : i1 to i32
      %cond3A_472 = arith.constant 0 : i32
      %cond3A_473 = arith.cmpi ne, %convert_element_type3A_471, %cond3A_472 : i32
      scf.if %cond3A_473 {
        %ge3A = arith.constant 15 : i32
        %ge3A_584 = arith.cmpi sge, %add3A_468, %ge3A : i32
        %convert_element_type3A_585 = arith.extui %ge3A_584 : i1 to i32
        %cond3A_586 = arith.constant 0 : i32
        %cond3A_587 = arith.cmpi ne, %convert_element_type3A_585, %cond3A_586 : i32
        scf.if %cond3A_587 {
          %sub3A = arith.constant 15 : i32
          %sub3A_594 = arith.subi %add3A_468, %sub3A : i32
          %mul3A_595 = arith.constant 8 : i32
          %mul3A_596 = arith.muli %sub3A_594, %mul3A_595 : i32
          %add3A_597 = arith.addi %mul3A_2, %mul3A_596 : i32
          %dma_wait3A_598 = arith.constant 0 : i32
          %dma_wait3A_599 = tpu.memref_slice %arg4[%add3A_597, %dma_wait3A_598] : memref<32768x1024xf32, #tpu.memory_space<hbm>> -> memref<8x1024xf32, #tpu.memory_space<hbm>>
          %dma_wait3A_600 = arith.constant 0 : i32
          %dma_wait3A_601 = tpu.memref_slice %arg4[%add3A_597, %dma_wait3A_600] : memref<32768x1024xf32, #tpu.memory_space<hbm>> -> memref<8x1024xf32, #tpu.memory_space<hbm>>
          tpu.wait_dma2 semaphore(%arg44 : memref<!tpu.dma_semaphore, #tpu.memory_space<semaphore_mem>>) src(%arg14 : memref<8x1024xf32, #tpu.memory_space<vmem>>) dst(%dma_wait3A_601 : memref<8x1024xf32, #tpu.memory_space<hbm>>)
        } else {
        }
        %mul3A_588 = arith.constant 8 : i32
        %mul3A_589 = arith.muli %add3A_468, %mul3A_588 : i32
        %dma_start3A_590 = tpu.memref_slice %arg5[%mul3A_589] : memref<1024xi32, #tpu.memory_space<vmem>> -> memref<8xi32, #tpu.memory_space<vmem>>
        %dma_start3A_591 = arith.constant 0 : i32
        %dma_start3A_592 = arith.constant 0 : i32
        %dma_start3A_593 = tpu.memref_slice %arg3[%dma_start3A_591, %dma_start3A_592] : memref<8192x1024xf32, #tpu.memory_space<hbm>> -> memref<8192x1024xf32, #tpu.memory_space<hbm>>
        tpu.enqueue_indirect_dma source(%dma_start3A_593 : memref<8192x1024xf32, #tpu.memory_space<hbm>>) target(%arg14 : memref<8x1024xf32, #tpu.memory_space<vmem>>) offsets(%dma_start3A_590 : memref<8xi32, #tpu.memory_space<vmem>>) semaphore(%arg29 : memref<!tpu.dma_semaphore, #tpu.memory_space<semaphore_mem>>)
      } else {
      }
      %add3A_474 = arith.constant 10 : i32
      %add3A_475 = arith.addi %mul3A_256, %add3A_474 : i32
      %mul3A_476 = arith.constant 8 : i32
      %mul3A_477 = arith.muli %add3A_475, %mul3A_476 : i32
      %dma_wait3A_478 = tpu.memref_slice %arg5[%mul3A_477] : memref<1024xi32, #tpu.memory_space<vmem>> -> memref<8xi32, #tpu.memory_space<vmem>>
      %dma_wait3A_479 = arith.constant 0 : i32
      %dma_wait3A_480 = arith.constant 0 : i32
      %dma_wait3A_481 = tpu.memref_slice %arg3[%dma_wait3A_479, %dma_wait3A_480] : memref<8192x1024xf32, #tpu.memory_space<hbm>> -> memref<8192x1024xf32, #tpu.memory_space<hbm>>
      tpu.wait_indirect_dma semaphore(%arg31 : memref<!tpu.dma_semaphore, #tpu.memory_space<semaphore_mem>>) src(%dma_wait3A_481 : memref<8192x1024xf32, #tpu.memory_space<hbm>>) dst(%arg16 : memref<8x1024xf32, #tpu.memory_space<vmem>>)
      %mul3A_482 = arith.constant 8 : i32
      %mul3A_483 = arith.muli %add3A_475, %mul3A_482 : i32
      %add3A_484 = arith.addi %mul3A_2, %mul3A_483 : i32
      %dma_start3A_485 = arith.constant 0 : i32
      %dma_start3A_486 = tpu.memref_slice %arg4[%add3A_484, %dma_start3A_485] : memref<32768x1024xf32, #tpu.memory_space<hbm>> -> memref<8x1024xf32, #tpu.memory_space<hbm>>
      %dma_start3A_487 = arith.constant 0 : i32
      %dma_start3A_488 = tpu.memref_slice %arg4[%add3A_484, %dma_start3A_487] : memref<32768x1024xf32, #tpu.memory_space<hbm>> -> memref<8x1024xf32, #tpu.memory_space<hbm>>
      tpu.enqueue_dma source(%arg16 : memref<8x1024xf32, #tpu.memory_space<vmem>>) target(%dma_start3A_488 : memref<8x1024xf32, #tpu.memory_space<hbm>>) target_semaphore(%arg46 : memref<!tpu.dma_semaphore, #tpu.memory_space<semaphore_mem>>)
      %add3A_489 = arith.constant 14 : i32
      %add3A_490 = arith.addi %add3A_475, %add3A_489 : i32
      %lt3A_491 = arith.constant 128 : i32
      %lt3A_492 = arith.cmpi slt, %add3A_490, %lt3A_491 : i32
      %convert_element_type3A_493 = arith.extui %lt3A_492 : i1 to i32
      %cond3A_494 = arith.constant 0 : i32
      %cond3A_495 = arith.cmpi ne, %convert_element_type3A_493, %cond3A_494 : i32
      scf.if %cond3A_495 {
        %ge3A = arith.constant 15 : i32
        %ge3A_584 = arith.cmpi sge, %add3A_490, %ge3A : i32
        %convert_element_type3A_585 = arith.extui %ge3A_584 : i1 to i32
        %cond3A_586 = arith.constant 0 : i32
        %cond3A_587 = arith.cmpi ne, %convert_element_type3A_585, %cond3A_586 : i32
        scf.if %cond3A_587 {
          %sub3A = arith.constant 15 : i32
          %sub3A_594 = arith.subi %add3A_490, %sub3A : i32
          %mul3A_595 = arith.constant 8 : i32
          %mul3A_596 = arith.muli %sub3A_594, %mul3A_595 : i32
          %add3A_597 = arith.addi %mul3A_2, %mul3A_596 : i32
          %dma_wait3A_598 = arith.constant 0 : i32
          %dma_wait3A_599 = tpu.memref_slice %arg4[%add3A_597, %dma_wait3A_598] : memref<32768x1024xf32, #tpu.memory_space<hbm>> -> memref<8x1024xf32, #tpu.memory_space<hbm>>
          %dma_wait3A_600 = arith.constant 0 : i32
          %dma_wait3A_601 = tpu.memref_slice %arg4[%add3A_597, %dma_wait3A_600] : memref<32768x1024xf32, #tpu.memory_space<hbm>> -> memref<8x1024xf32, #tpu.memory_space<hbm>>
          tpu.wait_dma2 semaphore(%arg45 : memref<!tpu.dma_semaphore, #tpu.memory_space<semaphore_mem>>) src(%arg15 : memref<8x1024xf32, #tpu.memory_space<vmem>>) dst(%dma_wait3A_601 : memref<8x1024xf32, #tpu.memory_space<hbm>>)
        } else {
        }
        %mul3A_588 = arith.constant 8 : i32
        %mul3A_589 = arith.muli %add3A_490, %mul3A_588 : i32
        %dma_start3A_590 = tpu.memref_slice %arg5[%mul3A_589] : memref<1024xi32, #tpu.memory_space<vmem>> -> memref<8xi32, #tpu.memory_space<vmem>>
        %dma_start3A_591 = arith.constant 0 : i32
        %dma_start3A_592 = arith.constant 0 : i32
        %dma_start3A_593 = tpu.memref_slice %arg3[%dma_start3A_591, %dma_start3A_592] : memref<8192x1024xf32, #tpu.memory_space<hbm>> -> memref<8192x1024xf32, #tpu.memory_space<hbm>>
        tpu.enqueue_indirect_dma source(%dma_start3A_593 : memref<8192x1024xf32, #tpu.memory_space<hbm>>) target(%arg15 : memref<8x1024xf32, #tpu.memory_space<vmem>>) offsets(%dma_start3A_590 : memref<8xi32, #tpu.memory_space<vmem>>) semaphore(%arg30 : memref<!tpu.dma_semaphore, #tpu.memory_space<semaphore_mem>>)
      } else {
      }
      %add3A_496 = arith.constant 11 : i32
      %add3A_497 = arith.addi %mul3A_256, %add3A_496 : i32
      %mul3A_498 = arith.constant 8 : i32
      %mul3A_499 = arith.muli %add3A_497, %mul3A_498 : i32
      %dma_wait3A_500 = tpu.memref_slice %arg5[%mul3A_499] : memref<1024xi32, #tpu.memory_space<vmem>> -> memref<8xi32, #tpu.memory_space<vmem>>
      %dma_wait3A_501 = arith.constant 0 : i32
      %dma_wait3A_502 = arith.constant 0 : i32
      %dma_wait3A_503 = tpu.memref_slice %arg3[%dma_wait3A_501, %dma_wait3A_502] : memref<8192x1024xf32, #tpu.memory_space<hbm>> -> memref<8192x1024xf32, #tpu.memory_space<hbm>>
      tpu.wait_indirect_dma semaphore(%arg32 : memref<!tpu.dma_semaphore, #tpu.memory_space<semaphore_mem>>) src(%dma_wait3A_503 : memref<8192x1024xf32, #tpu.memory_space<hbm>>) dst(%arg17 : memref<8x1024xf32, #tpu.memory_space<vmem>>)
      %mul3A_504 = arith.constant 8 : i32
      %mul3A_505 = arith.muli %add3A_497, %mul3A_504 : i32
      %add3A_506 = arith.addi %mul3A_2, %mul3A_505 : i32
      %dma_start3A_507 = arith.constant 0 : i32
      %dma_start3A_508 = tpu.memref_slice %arg4[%add3A_506, %dma_start3A_507] : memref<32768x1024xf32, #tpu.memory_space<hbm>> -> memref<8x1024xf32, #tpu.memory_space<hbm>>
      %dma_start3A_509 = arith.constant 0 : i32
      %dma_start3A_510 = tpu.memref_slice %arg4[%add3A_506, %dma_start3A_509] : memref<32768x1024xf32, #tpu.memory_space<hbm>> -> memref<8x1024xf32, #tpu.memory_space<hbm>>
      tpu.enqueue_dma source(%arg17 : memref<8x1024xf32, #tpu.memory_space<vmem>>) target(%dma_start3A_510 : memref<8x1024xf32, #tpu.memory_space<hbm>>) target_semaphore(%arg47 : memref<!tpu.dma_semaphore, #tpu.memory_space<semaphore_mem>>)
      %add3A_511 = arith.constant 14 : i32
      %add3A_512 = arith.addi %add3A_497, %add3A_511 : i32
      %lt3A_513 = arith.constant 128 : i32
      %lt3A_514 = arith.cmpi slt, %add3A_512, %lt3A_513 : i32
      %convert_element_type3A_515 = arith.extui %lt3A_514 : i1 to i32
      %cond3A_516 = arith.constant 0 : i32
      %cond3A_517 = arith.cmpi ne, %convert_element_type3A_515, %cond3A_516 : i32
      scf.if %cond3A_517 {
        %ge3A = arith.constant 15 : i32
        %ge3A_584 = arith.cmpi sge, %add3A_512, %ge3A : i32
        %convert_element_type3A_585 = arith.extui %ge3A_584 : i1 to i32
        %cond3A_586 = arith.constant 0 : i32
        %cond3A_587 = arith.cmpi ne, %convert_element_type3A_585, %cond3A_586 : i32
        scf.if %cond3A_587 {
          %sub3A = arith.constant 15 : i32
          %sub3A_594 = arith.subi %add3A_512, %sub3A : i32
          %mul3A_595 = arith.constant 8 : i32
          %mul3A_596 = arith.muli %sub3A_594, %mul3A_595 : i32
          %add3A_597 = arith.addi %mul3A_2, %mul3A_596 : i32
          %dma_wait3A_598 = arith.constant 0 : i32
          %dma_wait3A_599 = tpu.memref_slice %arg4[%add3A_597, %dma_wait3A_598] : memref<32768x1024xf32, #tpu.memory_space<hbm>> -> memref<8x1024xf32, #tpu.memory_space<hbm>>
          %dma_wait3A_600 = arith.constant 0 : i32
          %dma_wait3A_601 = tpu.memref_slice %arg4[%add3A_597, %dma_wait3A_600] : memref<32768x1024xf32, #tpu.memory_space<hbm>> -> memref<8x1024xf32, #tpu.memory_space<hbm>>
          tpu.wait_dma2 semaphore(%arg46 : memref<!tpu.dma_semaphore, #tpu.memory_space<semaphore_mem>>) src(%arg16 : memref<8x1024xf32, #tpu.memory_space<vmem>>) dst(%dma_wait3A_601 : memref<8x1024xf32, #tpu.memory_space<hbm>>)
        } else {
        }
        %mul3A_588 = arith.constant 8 : i32
        %mul3A_589 = arith.muli %add3A_512, %mul3A_588 : i32
        %dma_start3A_590 = tpu.memref_slice %arg5[%mul3A_589] : memref<1024xi32, #tpu.memory_space<vmem>> -> memref<8xi32, #tpu.memory_space<vmem>>
        %dma_start3A_591 = arith.constant 0 : i32
        %dma_start3A_592 = arith.constant 0 : i32
        %dma_start3A_593 = tpu.memref_slice %arg3[%dma_start3A_591, %dma_start3A_592] : memref<8192x1024xf32, #tpu.memory_space<hbm>> -> memref<8192x1024xf32, #tpu.memory_space<hbm>>
        tpu.enqueue_indirect_dma source(%dma_start3A_593 : memref<8192x1024xf32, #tpu.memory_space<hbm>>) target(%arg16 : memref<8x1024xf32, #tpu.memory_space<vmem>>) offsets(%dma_start3A_590 : memref<8xi32, #tpu.memory_space<vmem>>) semaphore(%arg31 : memref<!tpu.dma_semaphore, #tpu.memory_space<semaphore_mem>>)
      } else {
      }
      %add3A_518 = arith.constant 12 : i32
      %add3A_519 = arith.addi %mul3A_256, %add3A_518 : i32
      %mul3A_520 = arith.constant 8 : i32
      %mul3A_521 = arith.muli %add3A_519, %mul3A_520 : i32
      %dma_wait3A_522 = tpu.memref_slice %arg5[%mul3A_521] : memref<1024xi32, #tpu.memory_space<vmem>> -> memref<8xi32, #tpu.memory_space<vmem>>
      %dma_wait3A_523 = arith.constant 0 : i32
      %dma_wait3A_524 = arith.constant 0 : i32
      %dma_wait3A_525 = tpu.memref_slice %arg3[%dma_wait3A_523, %dma_wait3A_524] : memref<8192x1024xf32, #tpu.memory_space<hbm>> -> memref<8192x1024xf32, #tpu.memory_space<hbm>>
      tpu.wait_indirect_dma semaphore(%arg33 : memref<!tpu.dma_semaphore, #tpu.memory_space<semaphore_mem>>) src(%dma_wait3A_525 : memref<8192x1024xf32, #tpu.memory_space<hbm>>) dst(%arg18 : memref<8x1024xf32, #tpu.memory_space<vmem>>)
      %mul3A_526 = arith.constant 8 : i32
      %mul3A_527 = arith.muli %add3A_519, %mul3A_526 : i32
      %add3A_528 = arith.addi %mul3A_2, %mul3A_527 : i32
      %dma_start3A_529 = arith.constant 0 : i32
      %dma_start3A_530 = tpu.memref_slice %arg4[%add3A_528, %dma_start3A_529] : memref<32768x1024xf32, #tpu.memory_space<hbm>> -> memref<8x1024xf32, #tpu.memory_space<hbm>>
      %dma_start3A_531 = arith.constant 0 : i32
      %dma_start3A_532 = tpu.memref_slice %arg4[%add3A_528, %dma_start3A_531] : memref<32768x1024xf32, #tpu.memory_space<hbm>> -> memref<8x1024xf32, #tpu.memory_space<hbm>>
      tpu.enqueue_dma source(%arg18 : memref<8x1024xf32, #tpu.memory_space<vmem>>) target(%dma_start3A_532 : memref<8x1024xf32, #tpu.memory_space<hbm>>) target_semaphore(%arg48 : memref<!tpu.dma_semaphore, #tpu.memory_space<semaphore_mem>>)
      %add3A_533 = arith.constant 14 : i32
      %add3A_534 = arith.addi %add3A_519, %add3A_533 : i32
      %lt3A_535 = arith.constant 128 : i32
      %lt3A_536 = arith.cmpi slt, %add3A_534, %lt3A_535 : i32
      %convert_element_type3A_537 = arith.extui %lt3A_536 : i1 to i32
      %cond3A_538 = arith.constant 0 : i32
      %cond3A_539 = arith.cmpi ne, %convert_element_type3A_537, %cond3A_538 : i32
      scf.if %cond3A_539 {
        %ge3A = arith.constant 15 : i32
        %ge3A_584 = arith.cmpi sge, %add3A_534, %ge3A : i32
        %convert_element_type3A_585 = arith.extui %ge3A_584 : i1 to i32
        %cond3A_586 = arith.constant 0 : i32
        %cond3A_587 = arith.cmpi ne, %convert_element_type3A_585, %cond3A_586 : i32
        scf.if %cond3A_587 {
          %sub3A = arith.constant 15 : i32
          %sub3A_594 = arith.subi %add3A_534, %sub3A : i32
          %mul3A_595 = arith.constant 8 : i32
          %mul3A_596 = arith.muli %sub3A_594, %mul3A_595 : i32
          %add3A_597 = arith.addi %mul3A_2, %mul3A_596 : i32
          %dma_wait3A_598 = arith.constant 0 : i32
          %dma_wait3A_599 = tpu.memref_slice %arg4[%add3A_597, %dma_wait3A_598] : memref<32768x1024xf32, #tpu.memory_space<hbm>> -> memref<8x1024xf32, #tpu.memory_space<hbm>>
          %dma_wait3A_600 = arith.constant 0 : i32
          %dma_wait3A_601 = tpu.memref_slice %arg4[%add3A_597, %dma_wait3A_600] : memref<32768x1024xf32, #tpu.memory_space<hbm>> -> memref<8x1024xf32, #tpu.memory_space<hbm>>
          tpu.wait_dma2 semaphore(%arg47 : memref<!tpu.dma_semaphore, #tpu.memory_space<semaphore_mem>>) src(%arg17 : memref<8x1024xf32, #tpu.memory_space<vmem>>) dst(%dma_wait3A_601 : memref<8x1024xf32, #tpu.memory_space<hbm>>)
        } else {
        }
        %mul3A_588 = arith.constant 8 : i32
        %mul3A_589 = arith.muli %add3A_534, %mul3A_588 : i32
        %dma_start3A_590 = tpu.memref_slice %arg5[%mul3A_589] : memref<1024xi32, #tpu.memory_space<vmem>> -> memref<8xi32, #tpu.memory_space<vmem>>
        %dma_start3A_591 = arith.constant 0 : i32
        %dma_start3A_592 = arith.constant 0 : i32
        %dma_start3A_593 = tpu.memref_slice %arg3[%dma_start3A_591, %dma_start3A_592] : memref<8192x1024xf32, #tpu.memory_space<hbm>> -> memref<8192x1024xf32, #tpu.memory_space<hbm>>
        tpu.enqueue_indirect_dma source(%dma_start3A_593 : memref<8192x1024xf32, #tpu.memory_space<hbm>>) target(%arg17 : memref<8x1024xf32, #tpu.memory_space<vmem>>) offsets(%dma_start3A_590 : memref<8xi32, #tpu.memory_space<vmem>>) semaphore(%arg32 : memref<!tpu.dma_semaphore, #tpu.memory_space<semaphore_mem>>)
      } else {
      }
      %add3A_540 = arith.constant 13 : i32
      %add3A_541 = arith.addi %mul3A_256, %add3A_540 : i32
      %mul3A_542 = arith.constant 8 : i32
      %mul3A_543 = arith.muli %add3A_541, %mul3A_542 : i32
      %dma_wait3A_544 = tpu.memref_slice %arg5[%mul3A_543] : memref<1024xi32, #tpu.memory_space<vmem>> -> memref<8xi32, #tpu.memory_space<vmem>>
      %dma_wait3A_545 = arith.constant 0 : i32
      %dma_wait3A_546 = arith.constant 0 : i32
      %dma_wait3A_547 = tpu.memref_slice %arg3[%dma_wait3A_545, %dma_wait3A_546] : memref<8192x1024xf32, #tpu.memory_space<hbm>> -> memref<8192x1024xf32, #tpu.memory_space<hbm>>
      tpu.wait_indirect_dma semaphore(%arg34 : memref<!tpu.dma_semaphore, #tpu.memory_space<semaphore_mem>>) src(%dma_wait3A_547 : memref<8192x1024xf32, #tpu.memory_space<hbm>>) dst(%arg19 : memref<8x1024xf32, #tpu.memory_space<vmem>>)
      %mul3A_548 = arith.constant 8 : i32
      %mul3A_549 = arith.muli %add3A_541, %mul3A_548 : i32
      %add3A_550 = arith.addi %mul3A_2, %mul3A_549 : i32
      %dma_start3A_551 = arith.constant 0 : i32
      %dma_start3A_552 = tpu.memref_slice %arg4[%add3A_550, %dma_start3A_551] : memref<32768x1024xf32, #tpu.memory_space<hbm>> -> memref<8x1024xf32, #tpu.memory_space<hbm>>
      %dma_start3A_553 = arith.constant 0 : i32
      %dma_start3A_554 = tpu.memref_slice %arg4[%add3A_550, %dma_start3A_553] : memref<32768x1024xf32, #tpu.memory_space<hbm>> -> memref<8x1024xf32, #tpu.memory_space<hbm>>
      tpu.enqueue_dma source(%arg19 : memref<8x1024xf32, #tpu.memory_space<vmem>>) target(%dma_start3A_554 : memref<8x1024xf32, #tpu.memory_space<hbm>>) target_semaphore(%arg49 : memref<!tpu.dma_semaphore, #tpu.memory_space<semaphore_mem>>)
      %add3A_555 = arith.constant 14 : i32
      %add3A_556 = arith.addi %add3A_541, %add3A_555 : i32
      %lt3A_557 = arith.constant 128 : i32
      %lt3A_558 = arith.cmpi slt, %add3A_556, %lt3A_557 : i32
      %convert_element_type3A_559 = arith.extui %lt3A_558 : i1 to i32
      %cond3A_560 = arith.constant 0 : i32
      %cond3A_561 = arith.cmpi ne, %convert_element_type3A_559, %cond3A_560 : i32
      scf.if %cond3A_561 {
        %ge3A = arith.constant 15 : i32
        %ge3A_584 = arith.cmpi sge, %add3A_556, %ge3A : i32
        %convert_element_type3A_585 = arith.extui %ge3A_584 : i1 to i32
        %cond3A_586 = arith.constant 0 : i32
        %cond3A_587 = arith.cmpi ne, %convert_element_type3A_585, %cond3A_586 : i32
        scf.if %cond3A_587 {
          %sub3A = arith.constant 15 : i32
          %sub3A_594 = arith.subi %add3A_556, %sub3A : i32
          %mul3A_595 = arith.constant 8 : i32
          %mul3A_596 = arith.muli %sub3A_594, %mul3A_595 : i32
          %add3A_597 = arith.addi %mul3A_2, %mul3A_596 : i32
          %dma_wait3A_598 = arith.constant 0 : i32
          %dma_wait3A_599 = tpu.memref_slice %arg4[%add3A_597, %dma_wait3A_598] : memref<32768x1024xf32, #tpu.memory_space<hbm>> -> memref<8x1024xf32, #tpu.memory_space<hbm>>
          %dma_wait3A_600 = arith.constant 0 : i32
          %dma_wait3A_601 = tpu.memref_slice %arg4[%add3A_597, %dma_wait3A_600] : memref<32768x1024xf32, #tpu.memory_space<hbm>> -> memref<8x1024xf32, #tpu.memory_space<hbm>>
          tpu.wait_dma2 semaphore(%arg48 : memref<!tpu.dma_semaphore, #tpu.memory_space<semaphore_mem>>) src(%arg18 : memref<8x1024xf32, #tpu.memory_space<vmem>>) dst(%dma_wait3A_601 : memref<8x1024xf32, #tpu.memory_space<hbm>>)
        } else {
        }
        %mul3A_588 = arith.constant 8 : i32
        %mul3A_589 = arith.muli %add3A_556, %mul3A_588 : i32
        %dma_start3A_590 = tpu.memref_slice %arg5[%mul3A_589] : memref<1024xi32, #tpu.memory_space<vmem>> -> memref<8xi32, #tpu.memory_space<vmem>>
        %dma_start3A_591 = arith.constant 0 : i32
        %dma_start3A_592 = arith.constant 0 : i32
        %dma_start3A_593 = tpu.memref_slice %arg3[%dma_start3A_591, %dma_start3A_592] : memref<8192x1024xf32, #tpu.memory_space<hbm>> -> memref<8192x1024xf32, #tpu.memory_space<hbm>>
        tpu.enqueue_indirect_dma source(%dma_start3A_593 : memref<8192x1024xf32, #tpu.memory_space<hbm>>) target(%arg18 : memref<8x1024xf32, #tpu.memory_space<vmem>>) offsets(%dma_start3A_590 : memref<8xi32, #tpu.memory_space<vmem>>) semaphore(%arg33 : memref<!tpu.dma_semaphore, #tpu.memory_space<semaphore_mem>>)
      } else {
      }
      %add3A_562 = arith.constant 14 : i32
      %add3A_563 = arith.addi %mul3A_256, %add3A_562 : i32
      %mul3A_564 = arith.constant 8 : i32
      %mul3A_565 = arith.muli %add3A_563, %mul3A_564 : i32
      %dma_wait3A_566 = tpu.memref_slice %arg5[%mul3A_565] : memref<1024xi32, #tpu.memory_space<vmem>> -> memref<8xi32, #tpu.memory_space<vmem>>
      %dma_wait3A_567 = arith.constant 0 : i32
      %dma_wait3A_568 = arith.constant 0 : i32
      %dma_wait3A_569 = tpu.memref_slice %arg3[%dma_wait3A_567, %dma_wait3A_568] : memref<8192x1024xf32, #tpu.memory_space<hbm>> -> memref<8192x1024xf32, #tpu.memory_space<hbm>>
      tpu.wait_indirect_dma semaphore(%arg35 : memref<!tpu.dma_semaphore, #tpu.memory_space<semaphore_mem>>) src(%dma_wait3A_569 : memref<8192x1024xf32, #tpu.memory_space<hbm>>) dst(%arg20 : memref<8x1024xf32, #tpu.memory_space<vmem>>)
      %mul3A_570 = arith.constant 8 : i32
      %mul3A_571 = arith.muli %add3A_563, %mul3A_570 : i32
      %add3A_572 = arith.addi %mul3A_2, %mul3A_571 : i32
      %dma_start3A_573 = arith.constant 0 : i32
      %dma_start3A_574 = tpu.memref_slice %arg4[%add3A_572, %dma_start3A_573] : memref<32768x1024xf32, #tpu.memory_space<hbm>> -> memref<8x1024xf32, #tpu.memory_space<hbm>>
      %dma_start3A_575 = arith.constant 0 : i32
      %dma_start3A_576 = tpu.memref_slice %arg4[%add3A_572, %dma_start3A_575] : memref<32768x1024xf32, #tpu.memory_space<hbm>> -> memref<8x1024xf32, #tpu.memory_space<hbm>>
      tpu.enqueue_dma source(%arg20 : memref<8x1024xf32, #tpu.memory_space<vmem>>) target(%dma_start3A_576 : memref<8x1024xf32, #tpu.memory_space<hbm>>) target_semaphore(%arg50 : memref<!tpu.dma_semaphore, #tpu.memory_space<semaphore_mem>>)
      %add3A_577 = arith.constant 14 : i32
      %add3A_578 = arith.addi %add3A_563, %add3A_577 : i32
      %lt3A_579 = arith.constant 128 : i32
      %lt3A_580 = arith.cmpi slt, %add3A_578, %lt3A_579 : i32
      %convert_element_type3A_581 = arith.extui %lt3A_580 : i1 to i32
      %cond3A_582 = arith.constant 0 : i32
      %cond3A_583 = arith.cmpi ne, %convert_element_type3A_581, %cond3A_582 : i32
      scf.if %cond3A_583 {
        %ge3A = arith.constant 15 : i32
        %ge3A_584 = arith.cmpi sge, %add3A_578, %ge3A : i32
        %convert_element_type3A_585 = arith.extui %ge3A_584 : i1 to i32
        %cond3A_586 = arith.constant 0 : i32
        %cond3A_587 = arith.cmpi ne, %convert_element_type3A_585, %cond3A_586 : i32
        scf.if %cond3A_587 {
          %sub3A = arith.constant 15 : i32
          %sub3A_594 = arith.subi %add3A_578, %sub3A : i32
          %mul3A_595 = arith.constant 8 : i32
          %mul3A_596 = arith.muli %sub3A_594, %mul3A_595 : i32
          %add3A_597 = arith.addi %mul3A_2, %mul3A_596 : i32
          %dma_wait3A_598 = arith.constant 0 : i32
          %dma_wait3A_599 = tpu.memref_slice %arg4[%add3A_597, %dma_wait3A_598] : memref<32768x1024xf32, #tpu.memory_space<hbm>> -> memref<8x1024xf32, #tpu.memory_space<hbm>>
          %dma_wait3A_600 = arith.constant 0 : i32
          %dma_wait3A_601 = tpu.memref_slice %arg4[%add3A_597, %dma_wait3A_600] : memref<32768x1024xf32, #tpu.memory_space<hbm>> -> memref<8x1024xf32, #tpu.memory_space<hbm>>
          tpu.wait_dma2 semaphore(%arg49 : memref<!tpu.dma_semaphore, #tpu.memory_space<semaphore_mem>>) src(%arg19 : memref<8x1024xf32, #tpu.memory_space<vmem>>) dst(%dma_wait3A_601 : memref<8x1024xf32, #tpu.memory_space<hbm>>)
        } else {
        }
        %mul3A_588 = arith.constant 8 : i32
        %mul3A_589 = arith.muli %add3A_578, %mul3A_588 : i32
        %dma_start3A_590 = tpu.memref_slice %arg5[%mul3A_589] : memref<1024xi32, #tpu.memory_space<vmem>> -> memref<8xi32, #tpu.memory_space<vmem>>
        %dma_start3A_591 = arith.constant 0 : i32
        %dma_start3A_592 = arith.constant 0 : i32
        %dma_start3A_593 = tpu.memref_slice %arg3[%dma_start3A_591, %dma_start3A_592] : memref<8192x1024xf32, #tpu.memory_space<hbm>> -> memref<8192x1024xf32, #tpu.memory_space<hbm>>
        tpu.enqueue_indirect_dma source(%dma_start3A_593 : memref<8192x1024xf32, #tpu.memory_space<hbm>>) target(%arg19 : memref<8x1024xf32, #tpu.memory_space<vmem>>) offsets(%dma_start3A_590 : memref<8xi32, #tpu.memory_space<vmem>>) semaphore(%arg34 : memref<!tpu.dma_semaphore, #tpu.memory_space<semaphore_mem>>)
      } else {
      }
    }
    %scan3A_76 = arith.constant 8 : i32
    %dma_wait3A = arith.constant 960 : i32
    %dma_wait3A_77 = tpu.memref_slice %arg5[%dma_wait3A] : memref<1024xi32, #tpu.memory_space<vmem>> -> memref<8xi32, #tpu.memory_space<vmem>>
    %dma_wait3A_78 = arith.constant 0 : i32
    %dma_wait3A_79 = arith.constant 0 : i32
    %dma_wait3A_80 = tpu.memref_slice %arg3[%dma_wait3A_78, %dma_wait3A_79] : memref<8192x1024xf32, #tpu.memory_space<hbm>> -> memref<8192x1024xf32, #tpu.memory_space<hbm>>
    tpu.wait_indirect_dma semaphore(%arg21 : memref<!tpu.dma_semaphore, #tpu.memory_space<semaphore_mem>>) src(%dma_wait3A_80 : memref<8192x1024xf32, #tpu.memory_space<hbm>>) dst(%arg6 : memref<8x1024xf32, #tpu.memory_space<vmem>>)
    %add3A_81 = arith.constant 960 : i32
    %add3A_82 = arith.addi %mul3A_2, %add3A_81 : i32
    %dma_start3A_83 = arith.constant 0 : i32
    %dma_start3A_84 = tpu.memref_slice %arg4[%add3A_82, %dma_start3A_83] : memref<32768x1024xf32, #tpu.memory_space<hbm>> -> memref<8x1024xf32, #tpu.memory_space<hbm>>
    %dma_start3A_85 = arith.constant 0 : i32
    %dma_start3A_86 = tpu.memref_slice %arg4[%add3A_82, %dma_start3A_85] : memref<32768x1024xf32, #tpu.memory_space<hbm>> -> memref<8x1024xf32, #tpu.memory_space<hbm>>
    tpu.enqueue_dma source(%arg6 : memref<8x1024xf32, #tpu.memory_space<vmem>>) target(%dma_start3A_86 : memref<8x1024xf32, #tpu.memory_space<hbm>>) target_semaphore(%arg36 : memref<!tpu.dma_semaphore, #tpu.memory_space<semaphore_mem>>)
    %dma_wait3A_87 = arith.constant 968 : i32
    %dma_wait3A_88 = tpu.memref_slice %arg5[%dma_wait3A_87] : memref<1024xi32, #tpu.memory_space<vmem>> -> memref<8xi32, #tpu.memory_space<vmem>>
    %dma_wait3A_89 = arith.constant 0 : i32
    %dma_wait3A_90 = arith.constant 0 : i32
    %dma_wait3A_91 = tpu.memref_slice %arg3[%dma_wait3A_89, %dma_wait3A_90] : memref<8192x1024xf32, #tpu.memory_space<hbm>> -> memref<8192x1024xf32, #tpu.memory_space<hbm>>
    tpu.wait_indirect_dma semaphore(%arg22 : memref<!tpu.dma_semaphore, #tpu.memory_space<semaphore_mem>>) src(%dma_wait3A_91 : memref<8192x1024xf32, #tpu.memory_space<hbm>>) dst(%arg7 : memref<8x1024xf32, #tpu.memory_space<vmem>>)
    %add3A_92 = arith.constant 968 : i32
    %add3A_93 = arith.addi %mul3A_2, %add3A_92 : i32
    %dma_start3A_94 = arith.constant 0 : i32
    %dma_start3A_95 = tpu.memref_slice %arg4[%add3A_93, %dma_start3A_94] : memref<32768x1024xf32, #tpu.memory_space<hbm>> -> memref<8x1024xf32, #tpu.memory_space<hbm>>
    %dma_start3A_96 = arith.constant 0 : i32
    %dma_start3A_97 = tpu.memref_slice %arg4[%add3A_93, %dma_start3A_96] : memref<32768x1024xf32, #tpu.memory_space<hbm>> -> memref<8x1024xf32, #tpu.memory_space<hbm>>
    tpu.enqueue_dma source(%arg7 : memref<8x1024xf32, #tpu.memory_space<vmem>>) target(%dma_start3A_97 : memref<8x1024xf32, #tpu.memory_space<hbm>>) target_semaphore(%arg37 : memref<!tpu.dma_semaphore, #tpu.memory_space<semaphore_mem>>)
    %dma_wait3A_98 = arith.constant 976 : i32
    %dma_wait3A_99 = tpu.memref_slice %arg5[%dma_wait3A_98] : memref<1024xi32, #tpu.memory_space<vmem>> -> memref<8xi32, #tpu.memory_space<vmem>>
    %dma_wait3A_100 = arith.constant 0 : i32
    %dma_wait3A_101 = arith.constant 0 : i32
    %dma_wait3A_102 = tpu.memref_slice %arg3[%dma_wait3A_100, %dma_wait3A_101] : memref<8192x1024xf32, #tpu.memory_space<hbm>> -> memref<8192x1024xf32, #tpu.memory_space<hbm>>
    tpu.wait_indirect_dma semaphore(%arg23 : memref<!tpu.dma_semaphore, #tpu.memory_space<semaphore_mem>>) src(%dma_wait3A_102 : memref<8192x1024xf32, #tpu.memory_space<hbm>>) dst(%arg8 : memref<8x1024xf32, #tpu.memory_space<vmem>>)
    %add3A_103 = arith.constant 976 : i32
    %add3A_104 = arith.addi %mul3A_2, %add3A_103 : i32
    %dma_start3A_105 = arith.constant 0 : i32
    %dma_start3A_106 = tpu.memref_slice %arg4[%add3A_104, %dma_start3A_105] : memref<32768x1024xf32, #tpu.memory_space<hbm>> -> memref<8x1024xf32, #tpu.memory_space<hbm>>
    %dma_start3A_107 = arith.constant 0 : i32
    %dma_start3A_108 = tpu.memref_slice %arg4[%add3A_104, %dma_start3A_107] : memref<32768x1024xf32, #tpu.memory_space<hbm>> -> memref<8x1024xf32, #tpu.memory_space<hbm>>
    tpu.enqueue_dma source(%arg8 : memref<8x1024xf32, #tpu.memory_space<vmem>>) target(%dma_start3A_108 : memref<8x1024xf32, #tpu.memory_space<hbm>>) target_semaphore(%arg38 : memref<!tpu.dma_semaphore, #tpu.memory_space<semaphore_mem>>)
    %dma_wait3A_109 = arith.constant 984 : i32
    %dma_wait3A_110 = tpu.memref_slice %arg5[%dma_wait3A_109] : memref<1024xi32, #tpu.memory_space<vmem>> -> memref<8xi32, #tpu.memory_space<vmem>>
    %dma_wait3A_111 = arith.constant 0 : i32
    %dma_wait3A_112 = arith.constant 0 : i32
    %dma_wait3A_113 = tpu.memref_slice %arg3[%dma_wait3A_111, %dma_wait3A_112] : memref<8192x1024xf32, #tpu.memory_space<hbm>> -> memref<8192x1024xf32, #tpu.memory_space<hbm>>
    tpu.wait_indirect_dma semaphore(%arg24 : memref<!tpu.dma_semaphore, #tpu.memory_space<semaphore_mem>>) src(%dma_wait3A_113 : memref<8192x1024xf32, #tpu.memory_space<hbm>>) dst(%arg9 : memref<8x1024xf32, #tpu.memory_space<vmem>>)
    %add3A_114 = arith.constant 984 : i32
    %add3A_115 = arith.addi %mul3A_2, %add3A_114 : i32
    %dma_start3A_116 = arith.constant 0 : i32
    %dma_start3A_117 = tpu.memref_slice %arg4[%add3A_115, %dma_start3A_116] : memref<32768x1024xf32, #tpu.memory_space<hbm>> -> memref<8x1024xf32, #tpu.memory_space<hbm>>
    %dma_start3A_118 = arith.constant 0 : i32
    %dma_start3A_119 = tpu.memref_slice %arg4[%add3A_115, %dma_start3A_118] : memref<32768x1024xf32, #tpu.memory_space<hbm>> -> memref<8x1024xf32, #tpu.memory_space<hbm>>
    tpu.enqueue_dma source(%arg9 : memref<8x1024xf32, #tpu.memory_space<vmem>>) target(%dma_start3A_119 : memref<8x1024xf32, #tpu.memory_space<hbm>>) target_semaphore(%arg39 : memref<!tpu.dma_semaphore, #tpu.memory_space<semaphore_mem>>)
    %dma_wait3A_120 = arith.constant 992 : i32
    %dma_wait3A_121 = tpu.memref_slice %arg5[%dma_wait3A_120] : memref<1024xi32, #tpu.memory_space<vmem>> -> memref<8xi32, #tpu.memory_space<vmem>>
    %dma_wait3A_122 = arith.constant 0 : i32
    %dma_wait3A_123 = arith.constant 0 : i32
    %dma_wait3A_124 = tpu.memref_slice %arg3[%dma_wait3A_122, %dma_wait3A_123] : memref<8192x1024xf32, #tpu.memory_space<hbm>> -> memref<8192x1024xf32, #tpu.memory_space<hbm>>
    tpu.wait_indirect_dma semaphore(%arg25 : memref<!tpu.dma_semaphore, #tpu.memory_space<semaphore_mem>>) src(%dma_wait3A_124 : memref<8192x1024xf32, #tpu.memory_space<hbm>>) dst(%arg10 : memref<8x1024xf32, #tpu.memory_space<vmem>>)
    %add3A_125 = arith.constant 992 : i32
    %add3A_126 = arith.addi %mul3A_2, %add3A_125 : i32
    %dma_start3A_127 = arith.constant 0 : i32
    %dma_start3A_128 = tpu.memref_slice %arg4[%add3A_126, %dma_start3A_127] : memref<32768x1024xf32, #tpu.memory_space<hbm>> -> memref<8x1024xf32, #tpu.memory_space<hbm>>
    %dma_start3A_129 = arith.constant 0 : i32
    %dma_start3A_130 = tpu.memref_slice %arg4[%add3A_126, %dma_start3A_129] : memref<32768x1024xf32, #tpu.memory_space<hbm>> -> memref<8x1024xf32, #tpu.memory_space<hbm>>
    tpu.enqueue_dma source(%arg10 : memref<8x1024xf32, #tpu.memory_space<vmem>>) target(%dma_start3A_130 : memref<8x1024xf32, #tpu.memory_space<hbm>>) target_semaphore(%arg40 : memref<!tpu.dma_semaphore, #tpu.memory_space<semaphore_mem>>)
    %dma_wait3A_131 = arith.constant 1000 : i32
    %dma_wait3A_132 = tpu.memref_slice %arg5[%dma_wait3A_131] : memref<1024xi32, #tpu.memory_space<vmem>> -> memref<8xi32, #tpu.memory_space<vmem>>
    %dma_wait3A_133 = arith.constant 0 : i32
    %dma_wait3A_134 = arith.constant 0 : i32
    %dma_wait3A_135 = tpu.memref_slice %arg3[%dma_wait3A_133, %dma_wait3A_134] : memref<8192x1024xf32, #tpu.memory_space<hbm>> -> memref<8192x1024xf32, #tpu.memory_space<hbm>>
    tpu.wait_indirect_dma semaphore(%arg26 : memref<!tpu.dma_semaphore, #tpu.memory_space<semaphore_mem>>) src(%dma_wait3A_135 : memref<8192x1024xf32, #tpu.memory_space<hbm>>) dst(%arg11 : memref<8x1024xf32, #tpu.memory_space<vmem>>)
    %add3A_136 = arith.constant 1000 : i32
    %add3A_137 = arith.addi %mul3A_2, %add3A_136 : i32
    %dma_start3A_138 = arith.constant 0 : i32
    %dma_start3A_139 = tpu.memref_slice %arg4[%add3A_137, %dma_start3A_138] : memref<32768x1024xf32, #tpu.memory_space<hbm>> -> memref<8x1024xf32, #tpu.memory_space<hbm>>
    %dma_start3A_140 = arith.constant 0 : i32
    %dma_start3A_141 = tpu.memref_slice %arg4[%add3A_137, %dma_start3A_140] : memref<32768x1024xf32, #tpu.memory_space<hbm>> -> memref<8x1024xf32, #tpu.memory_space<hbm>>
    tpu.enqueue_dma source(%arg11 : memref<8x1024xf32, #tpu.memory_space<vmem>>) target(%dma_start3A_141 : memref<8x1024xf32, #tpu.memory_space<hbm>>) target_semaphore(%arg41 : memref<!tpu.dma_semaphore, #tpu.memory_space<semaphore_mem>>)
    %dma_wait3A_142 = arith.constant 1008 : i32
    %dma_wait3A_143 = tpu.memref_slice %arg5[%dma_wait3A_142] : memref<1024xi32, #tpu.memory_space<vmem>> -> memref<8xi32, #tpu.memory_space<vmem>>
    %dma_wait3A_144 = arith.constant 0 : i32
    %dma_wait3A_145 = arith.constant 0 : i32
    %dma_wait3A_146 = tpu.memref_slice %arg3[%dma_wait3A_144, %dma_wait3A_145] : memref<8192x1024xf32, #tpu.memory_space<hbm>> -> memref<8192x1024xf32, #tpu.memory_space<hbm>>
    tpu.wait_indirect_dma semaphore(%arg27 : memref<!tpu.dma_semaphore, #tpu.memory_space<semaphore_mem>>) src(%dma_wait3A_146 : memref<8192x1024xf32, #tpu.memory_space<hbm>>) dst(%arg12 : memref<8x1024xf32, #tpu.memory_space<vmem>>)
    %add3A_147 = arith.constant 1008 : i32
    %add3A_148 = arith.addi %mul3A_2, %add3A_147 : i32
    %dma_start3A_149 = arith.constant 0 : i32
    %dma_start3A_150 = tpu.memref_slice %arg4[%add3A_148, %dma_start3A_149] : memref<32768x1024xf32, #tpu.memory_space<hbm>> -> memref<8x1024xf32, #tpu.memory_space<hbm>>
    %dma_start3A_151 = arith.constant 0 : i32
    %dma_start3A_152 = tpu.memref_slice %arg4[%add3A_148, %dma_start3A_151] : memref<32768x1024xf32, #tpu.memory_space<hbm>> -> memref<8x1024xf32, #tpu.memory_space<hbm>>
    tpu.enqueue_dma source(%arg12 : memref<8x1024xf32, #tpu.memory_space<vmem>>) target(%dma_start3A_152 : memref<8x1024xf32, #tpu.memory_space<hbm>>) target_semaphore(%arg42 : memref<!tpu.dma_semaphore, #tpu.memory_space<semaphore_mem>>)
    %dma_wait3A_153 = arith.constant 1016 : i32
    %dma_wait3A_154 = tpu.memref_slice %arg5[%dma_wait3A_153] : memref<1024xi32, #tpu.memory_space<vmem>> -> memref<8xi32, #tpu.memory_space<vmem>>
    %dma_wait3A_155 = arith.constant 0 : i32
    %dma_wait3A_156 = arith.constant 0 : i32
    %dma_wait3A_157 = tpu.memref_slice %arg3[%dma_wait3A_155, %dma_wait3A_156] : memref<8192x1024xf32, #tpu.memory_space<hbm>> -> memref<8192x1024xf32, #tpu.memory_space<hbm>>
    tpu.wait_indirect_dma semaphore(%arg28 : memref<!tpu.dma_semaphore, #tpu.memory_space<semaphore_mem>>) src(%dma_wait3A_157 : memref<8192x1024xf32, #tpu.memory_space<hbm>>) dst(%arg13 : memref<8x1024xf32, #tpu.memory_space<vmem>>)
    %add3A_158 = arith.constant 1016 : i32
    %add3A_159 = arith.addi %mul3A_2, %add3A_158 : i32
    %dma_start3A_160 = arith.constant 0 : i32
    %dma_start3A_161 = tpu.memref_slice %arg4[%add3A_159, %dma_start3A_160] : memref<32768x1024xf32, #tpu.memory_space<hbm>> -> memref<8x1024xf32, #tpu.memory_space<hbm>>
    %dma_start3A_162 = arith.constant 0 : i32
    %dma_start3A_163 = tpu.memref_slice %arg4[%add3A_159, %dma_start3A_162] : memref<32768x1024xf32, #tpu.memory_space<hbm>> -> memref<8x1024xf32, #tpu.memory_space<hbm>>
    tpu.enqueue_dma source(%arg13 : memref<8x1024xf32, #tpu.memory_space<vmem>>) target(%dma_start3A_163 : memref<8x1024xf32, #tpu.memory_space<hbm>>) target_semaphore(%arg43 : memref<!tpu.dma_semaphore, #tpu.memory_space<semaphore_mem>>)
    %add3A_164 = arith.constant 904 : i32
    %add3A_165 = arith.addi %mul3A_2, %add3A_164 : i32
    %dma_wait3A_166 = arith.constant 0 : i32
    %dma_wait3A_167 = tpu.memref_slice %arg4[%add3A_165, %dma_wait3A_166] : memref<32768x1024xf32, #tpu.memory_space<hbm>> -> memref<8x1024xf32, #tpu.memory_space<hbm>>
    %dma_wait3A_168 = arith.constant 0 : i32
    %dma_wait3A_169 = tpu.memref_slice %arg4[%add3A_165, %dma_wait3A_168] : memref<32768x1024xf32, #tpu.memory_space<hbm>> -> memref<8x1024xf32, #tpu.memory_space<hbm>>
    tpu.wait_dma2 semaphore(%arg44 : memref<!tpu.dma_semaphore, #tpu.memory_space<semaphore_mem>>) src(%arg14 : memref<8x1024xf32, #tpu.memory_space<vmem>>) dst(%dma_wait3A_169 : memref<8x1024xf32, #tpu.memory_space<hbm>>)
    %add3A_170 = arith.constant 912 : i32
    %add3A_171 = arith.addi %mul3A_2, %add3A_170 : i32
    %dma_wait3A_172 = arith.constant 0 : i32
    %dma_wait3A_173 = tpu.memref_slice %arg4[%add3A_171, %dma_wait3A_172] : memref<32768x1024xf32, #tpu.memory_space<hbm>> -> memref<8x1024xf32, #tpu.memory_space<hbm>>
    %dma_wait3A_174 = arith.constant 0 : i32
    %dma_wait3A_175 = tpu.memref_slice %arg4[%add3A_171, %dma_wait3A_174] : memref<32768x1024xf32, #tpu.memory_space<hbm>> -> memref<8x1024xf32, #tpu.memory_space<hbm>>
    tpu.wait_dma2 semaphore(%arg45 : memref<!tpu.dma_semaphore, #tpu.memory_space<semaphore_mem>>) src(%arg15 : memref<8x1024xf32, #tpu.memory_space<vmem>>) dst(%dma_wait3A_175 : memref<8x1024xf32, #tpu.memory_space<hbm>>)
    %add3A_176 = arith.constant 920 : i32
    %add3A_177 = arith.addi %mul3A_2, %add3A_176 : i32
    %dma_wait3A_178 = arith.constant 0 : i32
    %dma_wait3A_179 = tpu.memref_slice %arg4[%add3A_177, %dma_wait3A_178] : memref<32768x1024xf32, #tpu.memory_space<hbm>> -> memref<8x1024xf32, #tpu.memory_space<hbm>>
    %dma_wait3A_180 = arith.constant 0 : i32
    %dma_wait3A_181 = tpu.memref_slice %arg4[%add3A_177, %dma_wait3A_180] : memref<32768x1024xf32, #tpu.memory_space<hbm>> -> memref<8x1024xf32, #tpu.memory_space<hbm>>
    tpu.wait_dma2 semaphore(%arg46 : memref<!tpu.dma_semaphore, #tpu.memory_space<semaphore_mem>>) src(%arg16 : memref<8x1024xf32, #tpu.memory_space<vmem>>) dst(%dma_wait3A_181 : memref<8x1024xf32, #tpu.memory_space<hbm>>)
    %add3A_182 = arith.constant 928 : i32
    %add3A_183 = arith.addi %mul3A_2, %add3A_182 : i32
    %dma_wait3A_184 = arith.constant 0 : i32
    %dma_wait3A_185 = tpu.memref_slice %arg4[%add3A_183, %dma_wait3A_184] : memref<32768x1024xf32, #tpu.memory_space<hbm>> -> memref<8x1024xf32, #tpu.memory_space<hbm>>
    %dma_wait3A_186 = arith.constant 0 : i32
    %dma_wait3A_187 = tpu.memref_slice %arg4[%add3A_183, %dma_wait3A_186] : memref<32768x1024xf32, #tpu.memory_space<hbm>> -> memref<8x1024xf32, #tpu.memory_space<hbm>>
    tpu.wait_dma2 semaphore(%arg47 : memref<!tpu.dma_semaphore, #tpu.memory_space<semaphore_mem>>) src(%arg17 : memref<8x1024xf32, #tpu.memory_space<vmem>>) dst(%dma_wait3A_187 : memref<8x1024xf32, #tpu.memory_space<hbm>>)
    %add3A_188 = arith.constant 936 : i32
    %add3A_189 = arith.addi %mul3A_2, %add3A_188 : i32
    %dma_wait3A_190 = arith.constant 0 : i32
    %dma_wait3A_191 = tpu.memref_slice %arg4[%add3A_189, %dma_wait3A_190] : memref<32768x1024xf32, #tpu.memory_space<hbm>> -> memref<8x1024xf32, #tpu.memory_space<hbm>>
    %dma_wait3A_192 = arith.constant 0 : i32
    %dma_wait3A_193 = tpu.memref_slice %arg4[%add3A_189, %dma_wait3A_192] : memref<32768x1024xf32, #tpu.memory_space<hbm>> -> memref<8x1024xf32, #tpu.memory_space<hbm>>
    tpu.wait_dma2 semaphore(%arg48 : memref<!tpu.dma_semaphore, #tpu.memory_space<semaphore_mem>>) src(%arg18 : memref<8x1024xf32, #tpu.memory_space<vmem>>) dst(%dma_wait3A_193 : memref<8x1024xf32, #tpu.memory_space<hbm>>)
    %add3A_194 = arith.constant 944 : i32
    %add3A_195 = arith.addi %mul3A_2, %add3A_194 : i32
    %dma_wait3A_196 = arith.constant 0 : i32
    %dma_wait3A_197 = tpu.memref_slice %arg4[%add3A_195, %dma_wait3A_196] : memref<32768x1024xf32, #tpu.memory_space<hbm>> -> memref<8x1024xf32, #tpu.memory_space<hbm>>
    %dma_wait3A_198 = arith.constant 0 : i32
    %dma_wait3A_199 = tpu.memref_slice %arg4[%add3A_195, %dma_wait3A_198] : memref<32768x1024xf32, #tpu.memory_space<hbm>> -> memref<8x1024xf32, #tpu.memory_space<hbm>>
    tpu.wait_dma2 semaphore(%arg49 : memref<!tpu.dma_semaphore, #tpu.memory_space<semaphore_mem>>) src(%arg19 : memref<8x1024xf32, #tpu.memory_space<vmem>>) dst(%dma_wait3A_199 : memref<8x1024xf32, #tpu.memory_space<hbm>>)
    %add3A_200 = arith.constant 952 : i32
    %add3A_201 = arith.addi %mul3A_2, %add3A_200 : i32
    %dma_wait3A_202 = arith.constant 0 : i32
    %dma_wait3A_203 = tpu.memref_slice %arg4[%add3A_201, %dma_wait3A_202] : memref<32768x1024xf32, #tpu.memory_space<hbm>> -> memref<8x1024xf32, #tpu.memory_space<hbm>>
    %dma_wait3A_204 = arith.constant 0 : i32
    %dma_wait3A_205 = tpu.memref_slice %arg4[%add3A_201, %dma_wait3A_204] : memref<32768x1024xf32, #tpu.memory_space<hbm>> -> memref<8x1024xf32, #tpu.memory_space<hbm>>
    tpu.wait_dma2 semaphore(%arg50 : memref<!tpu.dma_semaphore, #tpu.memory_space<semaphore_mem>>) src(%arg20 : memref<8x1024xf32, #tpu.memory_space<vmem>>) dst(%dma_wait3A_205 : memref<8x1024xf32, #tpu.memory_space<hbm>>)
    %add3A_206 = arith.constant 960 : i32
    %add3A_207 = arith.addi %mul3A_2, %add3A_206 : i32
    %dma_wait3A_208 = arith.constant 0 : i32
    %dma_wait3A_209 = tpu.memref_slice %arg4[%add3A_207, %dma_wait3A_208] : memref<32768x1024xf32, #tpu.memory_space<hbm>> -> memref<8x1024xf32, #tpu.memory_space<hbm>>
    %dma_wait3A_210 = arith.constant 0 : i32
    %dma_wait3A_211 = tpu.memref_slice %arg4[%add3A_207, %dma_wait3A_210] : memref<32768x1024xf32, #tpu.memory_space<hbm>> -> memref<8x1024xf32, #tpu.memory_space<hbm>>
    tpu.wait_dma2 semaphore(%arg36 : memref<!tpu.dma_semaphore, #tpu.memory_space<semaphore_mem>>) src(%arg6 : memref<8x1024xf32, #tpu.memory_space<vmem>>) dst(%dma_wait3A_211 : memref<8x1024xf32, #tpu.memory_space<hbm>>)
    %add3A_212 = arith.constant 968 : i32
    %add3A_213 = arith.addi %mul3A_2, %add3A_212 : i32
    %dma_wait3A_214 = arith.constant 0 : i32
    %dma_wait3A_215 = tpu.memref_slice %arg4[%add3A_213, %dma_wait3A_214] : memref<32768x1024xf32, #tpu.memory_space<hbm>> -> memref<8x1024xf32, #tpu.memory_space<hbm>>
    %dma_wait3A_216 = arith.constant 0 : i32
    %dma_wait3A_217 = tpu.memref_slice %arg4[%add3A_213, %dma_wait3A_216] : memref<32768x1024xf32, #tpu.memory_space<hbm>> -> memref<8x1024xf32, #tpu.memory_space<hbm>>
    tpu.wait_dma2 semaphore(%arg37 : memref<!tpu.dma_semaphore, #tpu.memory_space<semaphore_mem>>) src(%arg7 : memref<8x1024xf32, #tpu.memory_space<vmem>>) dst(%dma_wait3A_217 : memref<8x1024xf32, #tpu.memory_space<hbm>>)
    %add3A_218 = arith.constant 976 : i32
    %add3A_219 = arith.addi %mul3A_2, %add3A_218 : i32
    %dma_wait3A_220 = arith.constant 0 : i32
    %dma_wait3A_221 = tpu.memref_slice %arg4[%add3A_219, %dma_wait3A_220] : memref<32768x1024xf32, #tpu.memory_space<hbm>> -> memref<8x1024xf32, #tpu.memory_space<hbm>>
    %dma_wait3A_222 = arith.constant 0 : i32
    %dma_wait3A_223 = tpu.memref_slice %arg4[%add3A_219, %dma_wait3A_222] : memref<32768x1024xf32, #tpu.memory_space<hbm>> -> memref<8x1024xf32, #tpu.memory_space<hbm>>
    tpu.wait_dma2 semaphore(%arg38 : memref<!tpu.dma_semaphore, #tpu.memory_space<semaphore_mem>>) src(%arg8 : memref<8x1024xf32, #tpu.memory_space<vmem>>) dst(%dma_wait3A_223 : memref<8x1024xf32, #tpu.memory_space<hbm>>)
    %add3A_224 = arith.constant 984 : i32
    %add3A_225 = arith.addi %mul3A_2, %add3A_224 : i32
    %dma_wait3A_226 = arith.constant 0 : i32
    %dma_wait3A_227 = tpu.memref_slice %arg4[%add3A_225, %dma_wait3A_226] : memref<32768x1024xf32, #tpu.memory_space<hbm>> -> memref<8x1024xf32, #tpu.memory_space<hbm>>
    %dma_wait3A_228 = arith.constant 0 : i32
    %dma_wait3A_229 = tpu.memref_slice %arg4[%add3A_225, %dma_wait3A_228] : memref<32768x1024xf32, #tpu.memory_space<hbm>> -> memref<8x1024xf32, #tpu.memory_space<hbm>>
    tpu.wait_dma2 semaphore(%arg39 : memref<!tpu.dma_semaphore, #tpu.memory_space<semaphore_mem>>) src(%arg9 : memref<8x1024xf32, #tpu.memory_space<vmem>>) dst(%dma_wait3A_229 : memref<8x1024xf32, #tpu.memory_space<hbm>>)
    %add3A_230 = arith.constant 992 : i32
    %add3A_231 = arith.addi %mul3A_2, %add3A_230 : i32
    %dma_wait3A_232 = arith.constant 0 : i32
    %dma_wait3A_233 = tpu.memref_slice %arg4[%add3A_231, %dma_wait3A_232] : memref<32768x1024xf32, #tpu.memory_space<hbm>> -> memref<8x1024xf32, #tpu.memory_space<hbm>>
    %dma_wait3A_234 = arith.constant 0 : i32
    %dma_wait3A_235 = tpu.memref_slice %arg4[%add3A_231, %dma_wait3A_234] : memref<32768x1024xf32, #tpu.memory_space<hbm>> -> memref<8x1024xf32, #tpu.memory_space<hbm>>
    tpu.wait_dma2 semaphore(%arg40 : memref<!tpu.dma_semaphore, #tpu.memory_space<semaphore_mem>>) src(%arg10 : memref<8x1024xf32, #tpu.memory_space<vmem>>) dst(%dma_wait3A_235 : memref<8x1024xf32, #tpu.memory_space<hbm>>)
    %add3A_236 = arith.constant 1000 : i32
    %add3A_237 = arith.addi %mul3A_2, %add3A_236 : i32
    %dma_wait3A_238 = arith.constant 0 : i32
    %dma_wait3A_239 = tpu.memref_slice %arg4[%add3A_237, %dma_wait3A_238] : memref<32768x1024xf32, #tpu.memory_space<hbm>> -> memref<8x1024xf32, #tpu.memory_space<hbm>>
    %dma_wait3A_240 = arith.constant 0 : i32
    %dma_wait3A_241 = tpu.memref_slice %arg4[%add3A_237, %dma_wait3A_240] : memref<32768x1024xf32, #tpu.memory_space<hbm>> -> memref<8x1024xf32, #tpu.memory_space<hbm>>
    tpu.wait_dma2 semaphore(%arg41 : memref<!tpu.dma_semaphore, #tpu.memory_space<semaphore_mem>>) src(%arg11 : memref<8x1024xf32, #tpu.memory_space<vmem>>) dst(%dma_wait3A_241 : memref<8x1024xf32, #tpu.memory_space<hbm>>)
    %add3A_242 = arith.constant 1008 : i32
    %add3A_243 = arith.addi %mul3A_2, %add3A_242 : i32
    %dma_wait3A_244 = arith.constant 0 : i32
    %dma_wait3A_245 = tpu.memref_slice %arg4[%add3A_243, %dma_wait3A_244] : memref<32768x1024xf32, #tpu.memory_space<hbm>> -> memref<8x1024xf32, #tpu.memory_space<hbm>>
    %dma_wait3A_246 = arith.constant 0 : i32
    %dma_wait3A_247 = tpu.memref_slice %arg4[%add3A_243, %dma_wait3A_246] : memref<32768x1024xf32, #tpu.memory_space<hbm>> -> memref<8x1024xf32, #tpu.memory_space<hbm>>
    tpu.wait_dma2 semaphore(%arg42 : memref<!tpu.dma_semaphore, #tpu.memory_space<semaphore_mem>>) src(%arg12 : memref<8x1024xf32, #tpu.memory_space<vmem>>) dst(%dma_wait3A_247 : memref<8x1024xf32, #tpu.memory_space<hbm>>)
    %add3A_248 = arith.constant 1016 : i32
    %add3A_249 = arith.addi %mul3A_2, %add3A_248 : i32
    %dma_wait3A_250 = arith.constant 0 : i32
    %dma_wait3A_251 = tpu.memref_slice %arg4[%add3A_249, %dma_wait3A_250] : memref<32768x1024xf32, #tpu.memory_space<hbm>> -> memref<8x1024xf32, #tpu.memory_space<hbm>>
    %dma_wait3A_252 = arith.constant 0 : i32
    %dma_wait3A_253 = tpu.memref_slice %arg4[%add3A_249, %dma_wait3A_252] : memref<32768x1024xf32, #tpu.memory_space<hbm>> -> memref<8x1024xf32, #tpu.memory_space<hbm>>
    tpu.wait_dma2 semaphore(%arg43 : memref<!tpu.dma_semaphore, #tpu.memory_space<semaphore_mem>>) src(%arg13 : memref<8x1024xf32, #tpu.memory_space<vmem>>) dst(%dma_wait3A_253 : memref<8x1024xf32, #tpu.memory_space<hbm>>)
    return
  }
}

</mosaic_0001>

<sc_bundles>
// kernel: kernel.3.cloned.1.call-start
scs
__scs_entry_jumppad:
0x0: {  	(pc) =	sbr.rel $0x88, $3  }
0x1: {  	(tag) =	ssettag $0x0;
	lr =	simm.s32 $0x1  }
0x2: {  	[smem:$0x3F9F] =	sst lr;
	_ =	strace $0xD0000000  }
0x3: {  	_ = 	snop  }
0x4: {  	_ = 	snop  }
0x5: {  	_ = 	snop  }
0x6: {  	_ = 	snop  }
0x7: {  	_ = 	snop  }
__scs_overlays_trampoline_lowered:
0x8: {  	[smem:$0x3FAE] =	sst s0  }
0x9: {  	[smem:$0x3FAF] =	sst s1  }
0xa: {  	[smem:$0x3FB0] =	sst s2  }
0xb: {  	[smem:$0x3FB1] =	sst s3  }
0xc: {  	[smem:$0x3FB2] =	sst s4  }
0xd: {  	[smem:$0x3FB3] =	sst s5  }
0xe: {  	[smem:$0x3FB4] =	sst s6  }
0xf: {  	[smem:$0x3FB5] =	sst s7  }
0x10: {  	[smem:$0x3FB6] =	sst s8  }
0x11: {  	[smem:$0x3FB7] =	sst s9;
	s0 =	simm.s32 @!p0 $0x0  }
0x12: {  	s1 =	sld [smem:$0x3F9D];
	s0 =	simm.s32 @p0 $0x1  }
0x13: {  	[smem:$0x3FB8] =	sst s0;
	s0 =	simm.s32 @!p1 $0x0  }
0x14: {  	s2 =	sld [smem:$0x3F9C];
	s0 =	simm.s32 @p1 $0x1  }
0x15: {  	[smem:$0x3FB9] =	sst s0;
	s0 =	simm.s32 @!p2 $0x0  }
0x16: {  	s3 =	sld [smem:$0x3FDB];
	s0 =	simm.s32 @p2 $0x1  }
0x17: {  	s4 =	simm.s32 $0x1BF5;
	[smem:$0x3FBB] =	sst s0  }
0x18: {  	s0 =	sld [smem:$0x3F9E];
	_ =	swait.ge [sflag:s4], $0x0  }
0x19: {  	s7 =	sld [smem:$0x3F9F]  }
0x1a: {  	s8 =	sadd.s32 $0xFFFFE003, lr  }
0x1b: {  	s9 =	sadd.s32 $0xFFFFFEF7, lr;
	s5 =	simm.s32 $0xFFFFFFFF;
	p2 =	slt.u32 s8, $0xFFFFF086  }
0x1c: {  	p1 =	slt.u32 s9, $0xF7A;
	s5 =	simm.s32 @!p2 $0x0  }
0x1d: {  	s5 =	simm.s32 @p1 $0x1;
	p0 =	seq.s32 s7, s2  }
0x1e: {  	s7 =	smul.u32 @!p0 $0xF7A, s2;
	p2 =	seq.s32 @!p0 s5, $0x0  }
0x1f: {  	s9 =	smul.u32 $0xF7A, s1;
	s8 =	simm.s32 @!p0 $0x1BF5;
	p2 =	por !p2, p0  }
0x20: {  	[sflag:s8] =	ssyncset.s32 @!p0 $0xFFFFF086;
	s6 =	sadd.s32 @!p0 s3, s7;
	s7 =	simm.s32 @!p0 $0x108  }
0x21: {  	s3 =	sadd.s32 s3, s9;
	s6 =	sadd.s32 @!p0 $0x88, s6;
	s7 =	simm.s32 @p2 $0x1082  }
0x22: {  	[simem:s7], [sflag:s8] =	dma.local @!p0 [hbm:s6], $0xF7A  }
0x23: {  	s9 =	sor.u32 $0xD0000000, s2;
	s6 =	simm.s32 $0x108;
	_ =	swait.ge @!p0 [sflag:s8], $0x0  }
0x24: {  	s3 =	sadd.s32 $0x88, s3;
	s6 =	simm.s32 @!p1 $0x1082;
	[sflag:s4] =	ssyncset.s32 $0xFFFFF086  }
0x25: {  	[simem:s6], [sflag:s4] =	dma.local [hbm:s3], $0xF7A  }
0x26: {  	[smem:$0x3F9F] =	sst s1;
	(tag) =	ssettag s2;
	_ =	strace s9  }
0x27: {  	s1 =	sld [smem:$0x3FAF]  }
0x28: {  	s2 =	sld [smem:$0x3FB0]  }
0x29: {  	s4 =	sld [smem:$0x3FB2]  }
0x2a: {  	p0 =	seq.s32 s5, $0x0;
	s5 =	sld [smem:$0x3FB3]  }
0x2b: {  	s6 =	sld [smem:$0x3FB4]  }
0x2c: {  	s7 =	sld [smem:$0x3FB5]  }
0x2d: {  	s3 =	simm.s32 $0x108;
	s8 =	sld [smem:$0x3FB6]  }
0x2e: {  	s3 =	simm.s32 @!p0 $0x1082;
	s9 =	sld [smem:$0x3FB7]  }
0x2f: {  	lr =	sadd.s32 s0, s3;
	s0 =	sld [smem:$0x3FAE]  }
0x30: {  	s3 =	sld [smem:$0x3FB1]  }
0x31: {  	[smem:$0x3FBA] =	sst s10  }
0x32: {  	s10 =	sld [smem:$0x3FB8];
	_ =	sdelay $0x3  }
0x33: {  	p0 =	seq.s32 s10, $0x1;
	s10 =	sld [smem:$0x3FBA];
	_ =	sdelay $0x3  }
0x34: {  	[smem:$0x3FBA] =	sst s10  }
0x35: {  	s10 =	sld [smem:$0x3FB9];
	_ =	sdelay $0x3  }
0x36: {  	p1 =	seq.s32 s10, $0x1;
	s10 =	sld [smem:$0x3FBA];
	_ =	sdelay $0x3  }
0x37: {  	[smem:$0x3FBA] =	sst s10  }
0x38: {  	s10 =	sld [smem:$0x3FBB]  }
0x39: {  	_ = 	snop;
	(pc) =	sbr.ind lr, $3  }
0x3a: {  	_ = 	snop  }
0x3b: {  	_ = 	snop  }
0x3c: {  	p2 =	seq.s32 s10, $0x1;
	s10 =	sld [smem:$0x3FBA]  }
0x3d: {  	_ =	shalt  }
0x3e: {  	_ =	shalt  }
0x3f: {  	_ =	shalt  }
0x40: {  	_ =	shalt  }
0x41: {  	_ =	shalt  }
0x42: {  	_ =	shalt  }
0x43: {  	_ =	shalt  }
0x44: {  	_ =	shalt  }
0x45: {  	_ =	shalt  }
0x46: {  	_ =	shalt  }
0x47: {  	_ =	shalt  }
0x48: {  	_ =	shalt  }
0x49: {  	_ =	shalt  }
0x4a: {  	_ =	shalt  }
0x4b: {  	_ =	shalt  }
0x4c: {  	_ =	shalt  }
0x4d: {  	_ =	shalt  }
0x4e: {  	_ =	shalt  }
0x4f: {  	_ =	shalt  }
0x50: {  	_ =	shalt  }
0x51: {  	_ =	shalt  }
0x52: {  	_ =	shalt  }
0x53: {  	_ =	shalt  }
0x54: {  	_ =	shalt  }
0x55: {  	_ =	shalt  }
0x56: {  	_ =	shalt  }
0x57: {  	_ =	shalt  }
0x58: {  	_ =	shalt  }
0x59: {  	_ =	shalt  }
0x5a: {  	_ =	shalt  }
0x5b: {  	_ =	shalt  }
0x5c: {  	_ =	shalt  }
0x5d: {  	_ =	shalt  }
0x5e: {  	_ =	shalt  }
0x5f: {  	_ =	shalt  }
0x60: {  	_ =	shalt  }
0x61: {  	_ =	shalt  }
0x62: {  	_ =	shalt  }
0x63: {  	_ =	shalt  }
0x64: {  	_ =	shalt  }
0x65: {  	_ =	shalt  }
0x66: {  	_ =	shalt  }
0x67: {  	_ =	shalt  }
0x68: {  	_ =	shalt  }
0x69: {  	_ =	shalt  }
0x6a: {  	_ =	shalt  }
0x6b: {  	_ =	shalt  }
0x6c: {  	_ =	shalt  }
0x6d: {  	_ =	shalt  }
0x6e: {  	_ =	shalt  }
0x6f: {  	_ =	shalt  }
0x70: {  	_ =	shalt  }
0x71: {  	_ =	shalt  }
0x72: {  	_ =	shalt  }
0x73: {  	_ =	shalt  }
0x74: {  	_ =	shalt  }
0x75: {  	_ =	shalt  }
0x76: {  	_ =	shalt  }
0x77: {  	_ =	shalt  }
0x78: {  	_ =	shalt  }
0x79: {  	_ =	shalt  }
0x7a: {  	_ =	shalt  }
0x7b: {  	_ =	shalt  }
0x7c: {  	_ =	shalt  }
0x7d: {  	_ =	shalt  }
0x7e: {  	_ =	shalt  }
0x7f: {  	_ =	shalt  }
0x80: {  	_ =	shalt  }
0x81: {  	_ =	shalt  }
0x82: {  	_ =	shalt  }
0x83: {  	_ =	shalt  }
0x84: {  	_ =	shalt  }
0x85: {  	_ =	shalt  }
0x86: {  	_ =	shalt  }
0x87: {  	_ =	shalt  }
.Lfunc_end0:
.L_simem_size_0:
called_computation_lowered:
.L_overlay_start_0:
0x88: {  	s2 =	sld [smem:$0x3FD9]  }
0x89: {  	s3 =	sld [smem:$0x3FFE];
	_ =	sdelay $0x1  }
0x8a: {  	s1 =	srdreg.scid  }
0x8b: {  	s0 =	sand.u32 $0x1, s1  }
0x8c: {  	s17 =	sshll.u32 s0, $0xA;
	s2 =	sadd.s32 s3, s2  }
0x8d: {  	s2 =	sadd.s32 s2, s17  }
0x8e: {  	[smem:$0x3FC6] =	sst s2  }
0x8f: {  	_ = 	snop  }
0x90: {  	s2 =	sld [smem:$0x3FC8]  }
0x91: {  	s18 =	sld [smem:$0x3FD0];
	(tm) =	ssettm $0x1  }
0x92: {  	s4 =	sld [smem:$0x3FFB];
	_ =	sdelay $0x3  }
0x93: {  	_ =	strace s4  }
0x94: {  	s4 =	sld [smem:$0x3FFC];
	_ =	sdelay $0x3  }
0x95: {  	_ =	strace s4  }
0x96: {  	s4 =	sld [smem:$0x3FFD];
	_ =	sdelay $0x3  }
0x97: {  	_ =	strace s4  }
0x98: {  	_ =	strace $0x8FFFFFFF  }
0x99: {  	s19 =	sld [smem:$0x3FDB];
	_ =	sdelay $0x1  }
0x9a: {  	s5 =	simm.s32 $_scs_section_size  }
0x9b: {  	s6 =	simm.s32 $_size__tile_overlayer_lowered;
	s7 =	simm.s32 $_tile_overlayer_lowered  }
0x9c: {  	s22 =	simm.s32 $0x1BFF;
	s21 =	sshll.u32 s7, $0x1;
	s4 =	sadd.s32 s5, s19  }
0x9d: {  	s8 =	simm.s32 $0x0;
	s20 =	sshll.u32 s6, $0x1;
	s6 =	sadd.s32 s21, s4  }
0x9e: {  	[timem:s8], [sflag:s22] =	dma.local [hbm:s6], s20  }
0x9f: {  	_ =	swait.ge [sflag:s22], s20  }
0xa0: {  	s5 =	ssub.s32 $0x0, s20;
	[sflag:s22] =	ssyncset.done $0x0  }
0xa1: {  	[sflag:s22] =	ssyncadd.s32 s5;
	_ =	sdelay $0x1  }
0xa2: {  	s23 =	simm.s32 $0x1B8B  }
0xa3: {  	_ =	swait.ge [sflag:s23], $0x1  }
0xa4: {  	[sflag:s23] =	ssyncset.done $0x0  }
0xa5: {  	s25 =	simm.s32 $0x1B8E;
	s24 =	sld [smem:$0x3FFE];
	[sflag:s23] =	ssyncadd.s32 $0xFFFFFFFF  }
0xa6: {  	s26 =	simm.s32 $execute0_lowered;
	[smem:$0x3FD2] =	sst s25  }
0xa7: {  	s6 =	sshll.u32 s26, $0x1;
	_ =	strace $0x80000046;
	[dreg:$0x1] =	wrdreg $0xFFFFFFFF  }
0xa8: {  	s28 =	simm.s32 $_size_execute0_lowered;
	s4 =	sadd.s32 s4, s6;
	[dreg:$0x0] =	wrdreg $0x0  }
0xa9: {  	s6 =	sshll.u32 s28, $0x1;
	[dreg:$0x2] =	wrdreg s4  }
0xaa: {  	[dreg:$0x3] =	wrdreg s6  }
0xab: {  	[dreg:$0x4] =	wrdreg $0xC0  }
0xac: {  	_ =	task [dreg:s8], $0x5FFFF  }
0xad: {  	[dreg:$0x1] =	wrdreg $0xFFFFFFFF  }
0xae: {  	[dreg:$0x0] =	wrdreg $0x60  }
0xaf: {  	[dreg:$0x2] =	wrdreg s24  }
0xb0: {  	[dreg:$0x3] =	wrdreg s2  }
0xb1: {  	[dreg:$0x4] =	wrdreg s18  }
0xb2: {  	[dreg:$0x5] =	wrdreg $0x9  }
0xb3: {  	_ =	task.clear_ibuf [dreg:s8], $0x6FFFF;
	_ =	strace $0x90000046  }
0xb4: {  	s29 =	simm.s32 $0x9;
	_ =	strace $0x80000048  }
0xb5: {  	_ =	swait.ge [sflag:s29], $0x1  }
0xb6: {  	[sflag:s29] =	ssyncadd.s32 $0xFFFFFFFF  }
0xb7: {  	_ =	strace $0x90000048  }
0xb8: {  	_ =	sfence  }
0xb9: {  	s30 =	sld [smem:$0x0];
	_ =	sdelay $0x2  }
0xba: {  	s31 =	sshll.u32 s1, $0xD;
	s1 =	sshrl.u32 s1, $0x2  }
0xbb: {  	s3 =	sand.u32 $0x4000, s31;
	s1 =	sadd.s32 s1, s30  }
0xbc: {  	s0 =	sor.u32 s3, s0;
	s1 =	sshll.u32 s1, $0x11  }
0xbd: {  	s0 =	sor.u32 s1, s0  }
0xbe: {  	s0 =	sadd.s32 $0x8F2B, s0  }
0xbf: {  	[sflag:s0] =	ssyncadd.remote.s32 $0x1  }
0xc0: {  	_ =	sfence.sel $0xFFFF  }
0xc1: {  	[dreg:$0x0] =	wrdreg $0xFFFFFFFF;
	(pc) =	sbr.abs _section_cstart, $3  }
0xc2: {  	[dreg:$0x1] =	wrdreg $0xFFFFFFFF  }
0xc3: {  	_ =	task.clear_ibuf [dreg:s8], $0x2FFFF;
	_ =	strace $0x9FFFFFFF  }
0xc4: {  	(tm) =	ssettm $0x7FFFFFFF  }
0xc5: {  	_ =	shalt  }
tec
execute0_lowered:
.L_overlay_start_1:
0x0: {  	(tag) =	ssettag $0x1  }
0x1: {  	s0 =	rddreg [dreg:$0x0]  }
0x2: {  	s2 =	rddreg [dreg:$0x1];
	s1 =	srdreg.scid  }
0x3: {  	s4 =	rddreg [dreg:$0x2];
	s9 =	stileid.u32  }
0x4: {  	s3 =	simm.s32 $0x0;
	s11 =	simm.s32 $0x2400;
	s15 =	simm.s32 $0x4400  }
0x5: {  	s30 =	simm.s32 $0x6400;
	s12 =	simm.s32 $0x8400;
	s28 =	simm.s32 $0xE400  }
0x6: {  	s13 =	simm.s32 $0x6;
	s31 =	simm.s32 $0x14;
	s1 =	sand.u32 $0x1, s1  }
0x7: {  	s14 =	simm.s32 $0x7;
	s5 =	sshll.u32 s9, $0xB;
	s6 =	sshll.u32 s1, $0xA  }
0x8: {  	s29 =	simm.s32 $0x1D;
	[smem:$0x7FF] =	sst s3;
	s6 =	sor.u32 s6, s5  }
0x9: {  	s9 =	sshll.u32 s9, $0x12;
	s17 =	ssub.s32 $0x2, s1;
	s7 =	sshrl.u32 s6, $0x3  }
0xa: {  	_ =	strace $0x80000047;
	s8 =	sshrl.u32 s17, $0x1;
	s0 =	sadd.s32 s7, s0  }
0xb: {  	s8 =	ssub.s32 s17, s8;
	s18 =	sshll.u32 s6, $0x7;
	s0 =	sadd.s32 $0x400, s0  }
0xc: {  	s8 =	smax.u32 s8, $0x1;
	[dreg:$0x4] =	wrdreg s0;
	s0 =	sadd.s32 s18, s4  }
0xd: {  	s1 =	sshll.u32 s1, $0x11;
	[dreg:$0xd] =	wrdreg s8;
	s10 =	sadd.s32 $0x1E000, s0  }
0xe: {  	s5 =	sadd.s32 $0x100, s2;
	s19 =	sadd.s32 $0x1E400, s0;
	[dreg:$0x5] =	wrdreg s10  }
0xf: {  	s6 =	sadd.s32 $0x200, s2;
	s20 =	sadd.s32 $0x1E800, s0;
	[dreg:$0x6] =	wrdreg s19  }
0x10: {  	s17 =	simm.s32 $0x8;
	s21 =	sadd.s32 $0x1EC00, s0;
	[dreg:$0x7] =	wrdreg s20  }
0x11: {  	s7 =	sadd.s32 $0x300, s2;
	s22 =	sadd.s32 $0x1F000, s0;
	[dreg:$0x8] =	wrdreg s21  }
0x12: {  	s8 =	simm.s32 $0x11;
	s23 =	sadd.s32 $0x1F400, s0;
	[dreg:$0x9] =	wrdreg s22  }
0x13: {  	s4 =	sadd.s32 s9, s4;
	s24 =	sadd.s32 $0x1F800, s0;
	[dreg:$0xa] =	wrdreg s23  }
0x14: {  	s9 =	simm.s32 $0x13;
	s25 =	sadd.s32 $0x1FC00, s0;
	[dreg:$0xb] =	wrdreg s24  }
0x15: {  	s18 =	simm.s32 $0x16;
	s26 =	sadd.s32 $0x1CC00, s0;
	[dreg:$0xc] =	wrdreg s25  }
.Ltmp0:
0x16: {  	s0 =	sadd.s32 $0x1D400, s0;
	[dreg:$0xe] =	wrdreg s26;
	(pc) =	sbr.rel .LBB2_1-.Ltmp0, $4  }
0x17: {  	[dreg:$0xf] =	wrdreg s0;
	s19 =	sadd.s32 s1, s4;
	s4 =	simm.s32 $0x400  }
0x18: {  	v0 =	vlaneseq.u32;
	s20 =	simm.s32 $0xA400;
	s21 =	simm.s32 $0xC400;
	s22 =	simm.s32 $0x4  }
0x19: {  	v1 =	vshrl.u32 v0, $0x3;
	s24 =	simm.s32 $0x12;
	s26 =	simm.s32 $0x5;
	s10 =	simm.s32 $0x15  }
0x1a: {  	vm0 =	vmmov $0xffff;
	v0 =	vand.u32 $0x7, v0;
	v1 =	vmul.u32 $0x8, v1;
	s25 =	simm.s32 $0x17;
	s23 =	simm.s32 $0x1C;
	s1 =	simm.s32 $0x0  }
.LBB2_4:
0x1b: {  	s0 =	simm.s32 $0xF  }
0x1c: {  	_ =	swait.ge [sflag:s0], $0x2000  }
0x1d: {  	[sflag:s0] =	ssyncset.done $0x0  }
0x1e: {  	s15 =	simm.s32 $0x1;
	[sflag:s0] =	ssyncadd.s32 $0xFFFFE000  }
0x1f: {  	[hbm4b:s21+s3] =	stream.linear.scatter [tilespmem:s1], [sflag:$0x1E], $0x2000, $0x38;
	[tilespmem:$0x1E400] =	vst v63  }
0x20: {  	_ =	swait.ge [sflag:s15], $0x2000  }
0x21: {  	s4 =	simm.s32 $0x400;
	[sflag:s15] =	ssyncset.done $0x0  }
0x22: {  	s20 =	simm.s32 $0x2;
	s16 =	rddreg [dreg:$0x5];
	[sflag:s15] =	ssyncadd.s32 $0xFFFFE000  }
0x23: {  	[hbm4b:s16+s3] =	stream.linear.scatter [tilespmem:s4], [sflag:$0x10], $0x2000, $0x38;
	[tilespmem:$0x1E400] =	vst v63  }
0x24: {  	_ =	swait.ge [sflag:s20], $0x2000  }
0x25: {  	s11 =	simm.s32 $0x2400;
	[sflag:s20] =	ssyncset.done $0x0  }
0x26: {  	s1 =	simm.s32 $0x3;
	s21 =	rddreg [dreg:$0x6];
	[sflag:s20] =	ssyncadd.s32 $0xFFFFE000  }
0x27: {  	[hbm4b:s21+s3] =	stream.linear.scatter [tilespmem:s11], [sflag:$0x11], $0x2000, $0x38;
	[tilespmem:$0x1E400] =	vst v63  }
0x28: {  	_ =	swait.ge [sflag:s1], $0x2000  }
0x29: {  	[sflag:s1] =	ssyncset.done $0x0  }
0x2a: {  	s15 =	simm.s32 $0x4400;
	s12 =	rddreg [dreg:$0x7];
	[sflag:s1] =	ssyncadd.s32 $0xFFFFE000  }
0x2b: {  	[hbm4b:s12+s3] =	stream.linear.scatter [tilespmem:s15], [sflag:$0x12], $0x2000, $0x38;
	[tilespmem:$0x1E400] =	vst v63  }
0x2c: {  	_ =	swait.ge [sflag:s22], $0x2000  }
0x2d: {  	[sflag:s22] =	ssyncset.done $0x0  }
0x2e: {  	s30 =	simm.s32 $0x6400;
	s16 =	rddreg [dreg:$0x8];
	[sflag:s22] =	ssyncadd.s32 $0xFFFFE000  }
0x2f: {  	[hbm4b:s16+s3] =	stream.linear.scatter [tilespmem:s30], [sflag:$0x13], $0x2000, $0x38;
	[tilespmem:$0x1E400] =	vst v63  }
0x30: {  	_ =	swait.ge [sflag:s26], $0x2000  }
0x31: {  	[sflag:s26] =	ssyncset.done $0x0  }
0x32: {  	s12 =	simm.s32 $0x8400;
	s20 =	rddreg [dreg:$0x9];
	[sflag:s26] =	ssyncadd.s32 $0xFFFFE000  }
0x33: {  	[hbm4b:s20+s3] =	stream.linear.scatter [tilespmem:s12], [sflag:$0x14], $0x2000, $0x38;
	[tilespmem:$0x1E400] =	vst v63  }
0x34: {  	_ =	swait.ge [sflag:s13], $0x2000  }
0x35: {  	[sflag:s13] =	ssyncset.done $0x0  }
0x36: {  	s20 =	simm.s32 $0xA400;
	s21 =	rddreg [dreg:$0xa];
	[sflag:s13] =	ssyncadd.s32 $0xFFFFE000  }
0x37: {  	[hbm4b:s21+s3] =	stream.linear.scatter [tilespmem:s20], [sflag:$0x15], $0x2000, $0x38;
	[tilespmem:$0x1E400] =	vst v63  }
0x38: {  	_ =	swait.ge [sflag:s14], $0x2000  }
0x39: {  	[sflag:s14] =	ssyncset.done $0x0  }
0x3a: {  	s21 =	simm.s32 $0xC400;
	s1 =	rddreg [dreg:$0xb];
	[sflag:s14] =	ssyncadd.s32 $0xFFFFE000  }
0x3b: {  	[hbm4b:s1+s3] =	stream.linear.scatter [tilespmem:s21], [sflag:$0x16], $0x2000, $0x38;
	[tilespmem:$0x1E400] =	vst v63  }
0x3c: {  	_ =	swait.ge [sflag:s17], $0x2000  }
0x3d: {  	s28 =	simm.s32 $0xE400;
	[sflag:s17] =	ssyncset.done $0x0  }
0x3e: {  	s1 =	simm.s32 $0x18;
	s16 =	rddreg [dreg:$0xc];
	[sflag:s17] =	ssyncadd.s32 $0xFFFFE000  }
0x3f: {  	[hbm4b:s16+s3] =	stream.linear.scatter [tilespmem:s28], [sflag:$0x17], $0x2000, $0x38;
	[tilespmem:$0x1E400] =	vst v63  }
0x40: {  	_ =	swait.ge [sflag:s1], $0x2000  }
0x41: {  	[sflag:s1] =	ssyncset.done $0x0  }
0x42: {  	s16 =	simm.s32 $0x19;
	[sflag:s1] =	ssyncadd.s32 $0xFFFFE000  }
0x43: {  	_ =	swait.ge [sflag:s16], $0x2000  }
0x44: {  	[sflag:s16] =	ssyncset.done $0x0  }
0x45: {  	s1 =	simm.s32 $0x1A;
	[sflag:s16] =	ssyncadd.s32 $0xFFFFE000  }
0x46: {  	_ =	swait.ge [sflag:s1], $0x2000  }
0x47: {  	[sflag:s1] =	ssyncset.done $0x0  }
0x48: {  	s16 =	simm.s32 $0x1B;
	[sflag:s1] =	ssyncadd.s32 $0xFFFFE000  }
0x49: {  	_ =	swait.ge [sflag:s16], $0x2000  }
0x4a: {  	[sflag:s16] =	ssyncset.done $0x0  }
0x4b: {  	[sflag:s16] =	ssyncadd.s32 $0xFFFFE000  }
0x4c: {  	_ =	swait.ge [sflag:s23], $0x2000  }
0x4d: {  	[sflag:s23] =	ssyncset.done $0x0  }
0x4e: {  	[sflag:s23] =	ssyncadd.s32 $0xFFFFE000  }
0x4f: {  	_ =	swait.ge [sflag:s29], $0x2000  }
0x50: {  	[sflag:s29] =	ssyncset.done $0x0  }
0x51: {  	s1 =	simm.s32 $0x1E;
	[sflag:s29] =	ssyncadd.s32 $0xFFFFE000  }
0x52: {  	_ =	swait.ge [sflag:s1], $0x2000  }
0x53: {  	[sflag:s1] =	ssyncset.done $0x0  }
0x54: {  	s16 =	simm.s32 $0x10;
	[sflag:s1] =	ssyncadd.s32 $0xFFFFE000  }
0x55: {  	_ =	swait.ge [sflag:s16], $0x2000  }
0x56: {  	[sflag:s16] =	ssyncset.done $0x0  }
0x57: {  	[sflag:s16] =	ssyncadd.s32 $0xFFFFE000  }
0x58: {  	_ =	swait.ge [sflag:s8], $0x2000  }
0x59: {  	[sflag:s8] =	ssyncset.done $0x0  }
0x5a: {  	[sflag:s8] =	ssyncadd.s32 $0xFFFFE000  }
0x5b: {  	_ =	swait.ge [sflag:s24], $0x2000  }
0x5c: {  	[sflag:s24] =	ssyncset.done $0x0  }
0x5d: {  	[sflag:s24] =	ssyncadd.s32 $0xFFFFE000  }
0x5e: {  	_ =	swait.ge [sflag:s9], $0x2000  }
0x5f: {  	[sflag:s9] =	ssyncset.done $0x0  }
0x60: {  	[sflag:s9] =	ssyncadd.s32 $0xFFFFE000  }
0x61: {  	_ =	swait.ge [sflag:s31], $0x2000  }
0x62: {  	[sflag:s31] =	ssyncset.done $0x0  }
0x63: {  	[sflag:s31] =	ssyncadd.s32 $0xFFFFE000  }
0x64: {  	_ =	swait.ge [sflag:s10], $0x2000  }
0x65: {  	[sflag:s10] =	ssyncset.done $0x0  }
0x66: {  	[sflag:s10] =	ssyncadd.s32 $0xFFFFE000  }
0x67: {  	_ =	swait.ge [sflag:s18], $0x2000  }
0x68: {  	[sflag:s18] =	ssyncset.done $0x0  }
0x69: {  	[sflag:s18] =	ssyncadd.s32 $0xFFFFE000  }
0x6a: {  	_ =	swait.ge [sflag:s25], $0x2000  }
0x6b: {  	s0 =	rddreg [dreg:$0x10]  }
0x6c: {  	s16 =	rddreg [dreg:$0xd];
	s1 =	sadd.s32 $0x1, s0  }
0x6d: {  	p0 =	sne.s32 s1, s16  }
.Ltmp1:
0x6e: {  	_ = 	snop;
	(pc) =	sbr.rel @!p0 .LBB2_5-.Ltmp1, $3  }
0x6f: {  	_ =	sdelay $0x1  }
0x70: {  	[sflag:s25] =	ssyncset.done $0x0  }
0x71: {  	[sflag:s25] =	ssyncadd.s32 $0xFFFFE000  }
.LBB2_1:
0x72: {  	[dreg:$0x10] =	wrdreg s1  }
0x73: {  	s0 =	rddreg [dreg:$0x4];
	s1 =	simm.s32 $0x1F  }
0x74: {  	[tilespmem:s3], [sflag:$0x1F] =	stream.linear.gather [hbm4b:s0+s3], $0x400, $0x38;
	[tilespmem:$0x1E400] =	vst v63  }
0x75: {  	_ =	swait.ge [sflag:s1], $0x400  }
0x76: {  	[sflag:s1] =	ssyncset.done $0x0  }
0x77: {  	[sflag:s1] =	ssyncadd.s32 $0xFFFFFC00  }
0x78: {  	v2 =	vld.msk [tilespmem:$0x0], $0xff;
	_ =	sdelay $0x4  }
0x79: {  	v3 =	vshll.u32 v2, $0x3  }
0x7a: {  	v2 =	vand.u32 $0x7, v2;
	v3 =	vand.u32 $0xFFFFFFC0, v3  }
0x7b: {  	v2 =	vor.u32 v2, v3  }
0x7c: {  	v2 =	vperm.xlane v2, v0;
	_ =	sdelay $0x1  }
0x7d: {  	v2 =	vadd.s32 v1, v2;
	_ =	sdelay $0x4  }
0x7e: {  	[tilespmem:s4], [sflag:$0x1] =	stream.indirect_vreg.gather [hbm4b:s2+s3], $0x80, v2, vm0, $0xb8;
	[tilespmem:$0x1E400] =	vst v63  }
0x7f: {  	s16 =	simm.s32 $0xC00  }
0x80: {  	[tilespmem:s16], [sflag:$0x1] =	stream.indirect_vreg.gather [hbm4b:s5+s3], $0x80, v2, vm0, $0xb8;
	[tilespmem:$0x1E400] =	vst v63  }
0x81: {  	s1 =	simm.s32 $0x1400  }
0x82: {  	[tilespmem:s1], [sflag:$0x1] =	stream.indirect_vreg.gather [hbm4b:s6+s3], $0x80, v2, vm0, $0xb8;
	[tilespmem:$0x1E400] =	vst v63  }
0x83: {  	s16 =	simm.s32 $0x1C00  }
0x84: {  	[tilespmem:s16], [sflag:$0x1] =	stream.indirect_vreg.gather [hbm4b:s7+s3], $0x80, v2, vm0, $0xb8;
	[tilespmem:$0x1E400] =	vst v63  }
0x85: {  	v2 =	vld.msk [tilespmem:$0x8], $0xff;
	_ =	sdelay $0x4  }
0x86: {  	v3 =	vshll.u32 v2, $0x3  }
0x87: {  	v2 =	vand.u32 $0x7, v2;
	v3 =	vand.u32 $0xFFFFFFC0, v3  }
0x88: {  	v2 =	vor.u32 v2, v3  }
0x89: {  	v2 =	vperm.xlane v2, v0;
	_ =	sdelay $0x1  }
0x8a: {  	v2 =	vadd.s32 v1, v2;
	_ =	sdelay $0x4  }
0x8b: {  	[tilespmem:s11], [sflag:$0x2] =	stream.indirect_vreg.gather [hbm4b:s2+s3], $0x80, v2, vm0, $0xb8;
	[tilespmem:$0x1E400] =	vst v63  }
0x8c: {  	s1 =	simm.s32 $0x2C00  }
0x8d: {  	[tilespmem:s1], [sflag:$0x2] =	stream.indirect_vreg.gather [hbm4b:s5+s3], $0x80, v2, vm0, $0xb8;
	[tilespmem:$0x1E400] =	vst v63  }
0x8e: {  	s16 =	simm.s32 $0x3400  }
0x8f: {  	[tilespmem:s16], [sflag:$0x2] =	stream.indirect_vreg.gather [hbm4b:s6+s3], $0x80, v2, vm0, $0xb8;
	[tilespmem:$0x1E400] =	vst v63  }
0x90: {  	s1 =	simm.s32 $0x3C00  }
0x91: {  	[tilespmem:s1], [sflag:$0x2] =	stream.indirect_vreg.gather [hbm4b:s7+s3], $0x80, v2, vm0, $0xb8;
	[tilespmem:$0x1E400] =	vst v63  }
0x92: {  	v2 =	vld.msk [tilespmem:$0x10], $0xff;
	_ =	sdelay $0x4  }
0x93: {  	v3 =	vshll.u32 v2, $0x3  }
0x94: {  	v2 =	vand.u32 $0x7, v2;
	v3 =	vand.u32 $0xFFFFFFC0, v3  }
0x95: {  	v2 =	vor.u32 v2, v3  }
0x96: {  	v2 =	vperm.xlane v2, v0;
	_ =	sdelay $0x1  }
0x97: {  	v2 =	vadd.s32 v1, v2;
	_ =	sdelay $0x4  }
0x98: {  	[tilespmem:s15], [sflag:$0x3] =	stream.indirect_vreg.gather [hbm4b:s2+s3], $0x80, v2, vm0, $0xb8;
	[tilespmem:$0x1E400] =	vst v63  }
0x99: {  	s16 =	simm.s32 $0x4C00  }
0x9a: {  	[tilespmem:s16], [sflag:$0x3] =	stream.indirect_vreg.gather [hbm4b:s5+s3], $0x80, v2, vm0, $0xb8;
	[tilespmem:$0x1E400] =	vst v63  }
0x9b: {  	s1 =	simm.s32 $0x5400  }
0x9c: {  	[tilespmem:s1], [sflag:$0x3] =	stream.indirect_vreg.gather [hbm4b:s6+s3], $0x80, v2, vm0, $0xb8;
	[tilespmem:$0x1E400] =	vst v63  }
0x9d: {  	s16 =	simm.s32 $0x5C00  }
0x9e: {  	[tilespmem:s16], [sflag:$0x3] =	stream.indirect_vreg.gather [hbm4b:s7+s3], $0x80, v2, vm0, $0xb8;
	[tilespmem:$0x1E400] =	vst v63  }
0x9f: {  	v2 =	vld.msk [tilespmem:$0x18], $0xff;
	_ =	sdelay $0x4  }
0xa0: {  	v3 =	vshll.u32 v2, $0x3  }
0xa1: {  	v2 =	vand.u32 $0x7, v2;
	v3 =	vand.u32 $0xFFFFFFC0, v3  }
0xa2: {  	v2 =	vor.u32 v2, v3  }
0xa3: {  	v2 =	vperm.xlane v2, v0;
	_ =	sdelay $0x1  }
0xa4: {  	v2 =	vadd.s32 v1, v2;
	_ =	sdelay $0x4  }
0xa5: {  	[tilespmem:s30], [sflag:$0x4] =	stream.indirect_vreg.gather [hbm4b:s2+s3], $0x80, v2, vm0, $0xb8;
	[tilespmem:$0x1E400] =	vst v63  }
0xa6: {  	s1 =	simm.s32 $0x6C00  }
0xa7: {  	[tilespmem:s1], [sflag:$0x4] =	stream.indirect_vreg.gather [hbm4b:s5+s3], $0x80, v2, vm0, $0xb8;
	[tilespmem:$0x1E400] =	vst v63  }
0xa8: {  	s16 =	simm.s32 $0x7400  }
0xa9: {  	[tilespmem:s16], [sflag:$0x4] =	stream.indirect_vreg.gather [hbm4b:s6+s3], $0x80, v2, vm0, $0xb8;
	[tilespmem:$0x1E400] =	vst v63  }
0xaa: {  	s1 =	simm.s32 $0x7C00  }
0xab: {  	[tilespmem:s1], [sflag:$0x4] =	stream.indirect_vreg.gather [hbm4b:s7+s3], $0x80, v2, vm0, $0xb8;
	[tilespmem:$0x1E400] =	vst v63  }
0xac: {  	v2 =	vld.msk [tilespmem:$0x20], $0xff;
	_ =	sdelay $0x4  }
0xad: {  	v3 =	vshll.u32 v2, $0x3  }
0xae: {  	v2 =	vand.u32 $0x7, v2;
	v3 =	vand.u32 $0xFFFFFFC0, v3  }
0xaf: {  	v2 =	vor.u32 v2, v3  }
0xb0: {  	v2 =	vperm.xlane v2, v0;
	_ =	sdelay $0x1  }
0xb1: {  	v2 =	vadd.s32 v1, v2;
	_ =	sdelay $0x4  }
0xb2: {  	[tilespmem:s12], [sflag:$0x5] =	stream.indirect_vreg.gather [hbm4b:s2+s3], $0x80, v2, vm0, $0xb8;
	[tilespmem:$0x1E400] =	vst v63  }
0xb3: {  	s16 =	simm.s32 $0x8C00  }
0xb4: {  	[tilespmem:s16], [sflag:$0x5] =	stream.indirect_vreg.gather [hbm4b:s5+s3], $0x80, v2, vm0, $0xb8;
	[tilespmem:$0x1E400] =	vst v63  }
0xb5: {  	s1 =	simm.s32 $0x9400  }
0xb6: {  	[tilespmem:s1], [sflag:$0x5] =	stream.indirect_vreg.gather [hbm4b:s6+s3], $0x80, v2, vm0, $0xb8;
	[tilespmem:$0x1E400] =	vst v63  }
0xb7: {  	s12 =	simm.s32 $0x9C00  }
0xb8: {  	[tilespmem:s12], [sflag:$0x5] =	stream.indirect_vreg.gather [hbm4b:s7+s3], $0x80, v2, vm0, $0xb8;
	[tilespmem:$0x1E400] =	vst v63  }
0xb9: {  	v2 =	vld.msk [tilespmem:$0x28], $0xff;
	_ =	sdelay $0x4  }
0xba: {  	v3 =	vshll.u32 v2, $0x3  }
0xbb: {  	v2 =	vand.u32 $0x7, v2;
	v3 =	vand.u32 $0xFFFFFFC0, v3  }
0xbc: {  	v2 =	vor.u32 v2, v3  }
0xbd: {  	v2 =	vperm.xlane v2, v0;
	_ =	sdelay $0x1  }
0xbe: {  	v2 =	vadd.s32 v1, v2;
	_ =	sdelay $0x4  }
0xbf: {  	[tilespmem:s20], [sflag:$0x6] =	stream.indirect_vreg.gather [hbm4b:s2+s3], $0x80, v2, vm0, $0xb8;
	[tilespmem:$0x1E400] =	vst v63  }
0xc0: {  	s16 =	simm.s32 $0xAC00  }
0xc1: {  	[tilespmem:s16], [sflag:$0x6] =	stream.indirect_vreg.gather [hbm4b:s5+s3], $0x80, v2, vm0, $0xb8;
	[tilespmem:$0x1E400] =	vst v63  }
0xc2: {  	s20 =	simm.s32 $0xB400  }
0xc3: {  	[tilespmem:s20], [sflag:$0x6] =	stream.indirect_vreg.gather [hbm4b:s6+s3], $0x80, v2, vm0, $0xb8;
	[tilespmem:$0x1E400] =	vst v63  }
0xc4: {  	s1 =	simm.s32 $0xBC00  }
0xc5: {  	[tilespmem:s1], [sflag:$0x6] =	stream.indirect_vreg.gather [hbm4b:s7+s3], $0x80, v2, vm0, $0xb8;
	[tilespmem:$0x1E400] =	vst v63  }
0xc6: {  	v2 =	vld.msk [tilespmem:$0x30], $0xff;
	_ =	sdelay $0x4  }
0xc7: {  	v3 =	vshll.u32 v2, $0x3  }
0xc8: {  	v2 =	vand.u32 $0x7, v2;
	v3 =	vand.u32 $0xFFFFFFC0, v3  }
0xc9: {  	v2 =	vor.u32 v2, v3  }
0xca: {  	v2 =	vperm.xlane v2, v0;
	_ =	sdelay $0x1  }
0xcb: {  	v2 =	vadd.s32 v1, v2;
	_ =	sdelay $0x4  }
0xcc: {  	[tilespmem:s21], [sflag:$0x7] =	stream.indirect_vreg.gather [hbm4b:s2+s3], $0x80, v2, vm0, $0xb8;
	[tilespmem:$0x1E400] =	vst v63  }
0xcd: {  	s12 =	simm.s32 $0xCC00  }
0xce: {  	[tilespmem:s12], [sflag:$0x7] =	stream.indirect_vreg.gather [hbm4b:s5+s3], $0x80, v2, vm0, $0xb8;
	[tilespmem:$0x1E400] =	vst v63  }
0xcf: {  	s16 =	simm.s32 $0xD400  }
0xd0: {  	[tilespmem:s16], [sflag:$0x7] =	stream.indirect_vreg.gather [hbm4b:s6+s3], $0x80, v2, vm0, $0xb8;
	[tilespmem:$0x1E400] =	vst v63  }
0xd1: {  	s20 =	simm.s32 $0xDC00  }
0xd2: {  	[tilespmem:s20], [sflag:$0x7] =	stream.indirect_vreg.gather [hbm4b:s7+s3], $0x80, v2, vm0, $0xb8;
	[tilespmem:$0x1E400] =	vst v63  }
0xd3: {  	v2 =	vld.msk [tilespmem:$0x38], $0xff;
	_ =	sdelay $0x4  }
0xd4: {  	v3 =	vshll.u32 v2, $0x3  }
0xd5: {  	v2 =	vand.u32 $0x7, v2;
	v3 =	vand.u32 $0xFFFFFFC0, v3  }
0xd6: {  	v2 =	vor.u32 v2, v3  }
0xd7: {  	v2 =	vperm.xlane v2, v0;
	_ =	sdelay $0x1  }
0xd8: {  	v2 =	vadd.s32 v1, v2;
	_ =	sdelay $0x4  }
0xd9: {  	[tilespmem:s28], [sflag:$0x8] =	stream.indirect_vreg.gather [hbm4b:s2+s3], $0x80, v2, vm0, $0xb8;
	[tilespmem:$0x1E400] =	vst v63  }
0xda: {  	s21 =	simm.s32 $0xEC00  }
0xdb: {  	[tilespmem:s21], [sflag:$0x8] =	stream.indirect_vreg.gather [hbm4b:s5+s3], $0x80, v2, vm0, $0xb8;
	[tilespmem:$0x1E400] =	vst v63  }
0xdc: {  	s28 =	simm.s32 $0xF400  }
0xdd: {  	[tilespmem:s28], [sflag:$0x8] =	stream.indirect_vreg.gather [hbm4b:s6+s3], $0x80, v2, vm0, $0xb8;
	[tilespmem:$0x1E400] =	vst v63  }
0xde: {  	s1 =	simm.s32 $0xFC00  }
0xdf: {  	[tilespmem:s1], [sflag:$0x8] =	stream.indirect_vreg.gather [hbm4b:s7+s3], $0x80, v2, vm0, $0xb8;
	[tilespmem:$0x1E400] =	vst v63  }
0xe0: {  	v2 =	vld.msk [tilespmem:$0x40], $0xff;
	_ =	sdelay $0x4  }
0xe1: {  	v3 =	vshll.u32 v2, $0x3  }
0xe2: {  	v2 =	vand.u32 $0x7, v2;
	v3 =	vand.u32 $0xFFFFFFC0, v3  }
0xe3: {  	v2 =	vor.u32 v2, v3  }
0xe4: {  	v2 =	vperm.xlane v2, v0;
	_ =	sdelay $0x1  }
0xe5: {  	v2 =	vadd.s32 v1, v2;
	_ =	sdelay $0x3  }
0xe6: {  	s12 =	simm.s32 $0x10400  }
0xe7: {  	[tilespmem:s12], [sflag:$0x9] =	stream.indirect_vreg.gather [hbm4b:s2+s3], $0x80, v2, vm0, $0xb8;
	[tilespmem:$0x1E400] =	vst v63  }
0xe8: {  	s16 =	simm.s32 $0x10C00  }
0xe9: {  	[tilespmem:s16], [sflag:$0x9] =	stream.indirect_vreg.gather [hbm4b:s5+s3], $0x80, v2, vm0, $0xb8;
	[tilespmem:$0x1E400] =	vst v63  }
0xea: {  	s20 =	simm.s32 $0x11400  }
0xeb: {  	[tilespmem:s20], [sflag:$0x9] =	stream.indirect_vreg.gather [hbm4b:s6+s3], $0x80, v2, vm0, $0xb8;
	[tilespmem:$0x1E400] =	vst v63  }
0xec: {  	s21 =	simm.s32 $0x11C00  }
0xed: {  	[tilespmem:s21], [sflag:$0x9] =	stream.indirect_vreg.gather [hbm4b:s7+s3], $0x80, v2, vm0, $0xb8;
	[tilespmem:$0x1E400] =	vst v63  }
0xee: {  	v2 =	vld.msk [tilespmem:$0x48], $0xff;
	_ =	sdelay $0x4  }
0xef: {  	v3 =	vshll.u32 v2, $0x3  }
0xf0: {  	v2 =	vand.u32 $0x7, v2;
	v3 =	vand.u32 $0xFFFFFFC0, v3  }
0xf1: {  	v2 =	vor.u32 v2, v3  }
0xf2: {  	v2 =	vperm.xlane v2, v0;
	_ =	sdelay $0x1  }
0xf3: {  	v2 =	vadd.s32 v1, v2;
	_ =	sdelay $0x3  }
0xf4: {  	s28 =	simm.s32 $0x12400  }
0xf5: {  	[tilespmem:s28], [sflag:$0xA] =	stream.indirect_vreg.gather [hbm4b:s2+s3], $0x80, v2, vm0, $0xb8;
	[tilespmem:$0x1E400] =	vst v63  }
0xf6: {  	s1 =	simm.s32 $0x12C00  }
0xf7: {  	[tilespmem:s1], [sflag:$0xA] =	stream.indirect_vreg.gather [hbm4b:s5+s3], $0x80, v2, vm0, $0xb8;
	[tilespmem:$0x1E400] =	vst v63  }
0xf8: {  	s12 =	simm.s32 $0x13400  }
0xf9: {  	[tilespmem:s12], [sflag:$0xA] =	stream.indirect_vreg.gather [hbm4b:s6+s3], $0x80, v2, vm0, $0xb8;
	[tilespmem:$0x1E400] =	vst v63  }
0xfa: {  	s16 =	simm.s32 $0x13C00  }
0xfb: {  	[tilespmem:s16], [sflag:$0xA] =	stream.indirect_vreg.gather [hbm4b:s7+s3], $0x80, v2, vm0, $0xb8;
	[tilespmem:$0x1E400] =	vst v63  }
0xfc: {  	v2 =	vld.msk [tilespmem:$0x50], $0xff;
	_ =	sdelay $0x4  }
0xfd: {  	v3 =	vshll.u32 v2, $0x3  }
0xfe: {  	v2 =	vand.u32 $0x7, v2;
	v3 =	vand.u32 $0xFFFFFFC0, v3  }
0xff: {  	v2 =	vor.u32 v2, v3  }
0x100: {  	v2 =	vperm.xlane v2, v0;
	_ =	sdelay $0x1  }
0x101: {  	v2 =	vadd.s32 v1, v2;
	_ =	sdelay $0x3  }
0x102: {  	s20 =	simm.s32 $0x14400  }
0x103: {  	[tilespmem:s20], [sflag:$0xB] =	stream.indirect_vreg.gather [hbm4b:s2+s3], $0x80, v2, vm0, $0xb8;
	[tilespmem:$0x1E400] =	vst v63  }
0x104: {  	s21 =	simm.s32 $0x14C00  }
0x105: {  	[tilespmem:s21], [sflag:$0xB] =	stream.indirect_vreg.gather [hbm4b:s5+s3], $0x80, v2, vm0, $0xb8;
	[tilespmem:$0x1E400] =	vst v63  }
0x106: {  	s28 =	simm.s32 $0x15400  }
0x107: {  	[tilespmem:s28], [sflag:$0xB] =	stream.indirect_vreg.gather [hbm4b:s6+s3], $0x80, v2, vm0, $0xb8;
	[tilespmem:$0x1E400] =	vst v63  }
0x108: {  	s1 =	simm.s32 $0x15C00  }
0x109: {  	[tilespmem:s1], [sflag:$0xB] =	stream.indirect_vreg.gather [hbm4b:s7+s3], $0x80, v2, vm0, $0xb8;
	[tilespmem:$0x1E400] =	vst v63  }
0x10a: {  	v2 =	vld.msk [tilespmem:$0x58], $0xff;
	_ =	sdelay $0x4  }
0x10b: {  	v3 =	vshll.u32 v2, $0x3  }
0x10c: {  	v2 =	vand.u32 $0x7, v2;
	v3 =	vand.u32 $0xFFFFFFC0, v3  }
0x10d: {  	v2 =	vor.u32 v2, v3  }
0x10e: {  	v2 =	vperm.xlane v2, v0;
	_ =	sdelay $0x1  }
0x10f: {  	v2 =	vadd.s32 v1, v2;
	_ =	sdelay $0x3  }
0x110: {  	s12 =	simm.s32 $0x16400  }
0x111: {  	[tilespmem:s12], [sflag:$0xC] =	stream.indirect_vreg.gather [hbm4b:s2+s3], $0x80, v2, vm0, $0xb8;
	[tilespmem:$0x1E400] =	vst v63  }
0x112: {  	s16 =	simm.s32 $0x16C00  }
0x113: {  	[tilespmem:s16], [sflag:$0xC] =	stream.indirect_vreg.gather [hbm4b:s5+s3], $0x80, v2, vm0, $0xb8;
	[tilespmem:$0x1E400] =	vst v63  }
0x114: {  	s20 =	simm.s32 $0x17400  }
0x115: {  	[tilespmem:s20], [sflag:$0xC] =	stream.indirect_vreg.gather [hbm4b:s6+s3], $0x80, v2, vm0, $0xb8;
	[tilespmem:$0x1E400] =	vst v63  }
0x116: {  	s21 =	simm.s32 $0x17C00  }
0x117: {  	[tilespmem:s21], [sflag:$0xC] =	stream.indirect_vreg.gather [hbm4b:s7+s3], $0x80, v2, vm0, $0xb8;
	[tilespmem:$0x1E400] =	vst v63  }
0x118: {  	v2 =	vld.msk [tilespmem:$0x60], $0xff;
	_ =	sdelay $0x4  }
0x119: {  	v3 =	vshll.u32 v2, $0x3  }
0x11a: {  	v2 =	vand.u32 $0x7, v2;
	v3 =	vand.u32 $0xFFFFFFC0, v3  }
0x11b: {  	v2 =	vor.u32 v2, v3  }
0x11c: {  	v2 =	vperm.xlane v2, v0;
	_ =	sdelay $0x1  }
0x11d: {  	v2 =	vadd.s32 v1, v2;
	_ =	sdelay $0x3  }
0x11e: {  	s28 =	simm.s32 $0x18400  }
0x11f: {  	[tilespmem:s28], [sflag:$0xD] =	stream.indirect_vreg.gather [hbm4b:s2+s3], $0x80, v2, vm0, $0xb8;
	[tilespmem:$0x1E400] =	vst v63  }
0x120: {  	s1 =	simm.s32 $0x18C00  }
0x121: {  	[tilespmem:s1], [sflag:$0xD] =	stream.indirect_vreg.gather [hbm4b:s5+s3], $0x80, v2, vm0, $0xb8;
	[tilespmem:$0x1E400] =	vst v63  }
0x122: {  	s12 =	simm.s32 $0x19400  }
0x123: {  	[tilespmem:s12], [sflag:$0xD] =	stream.indirect_vreg.gather [hbm4b:s6+s3], $0x80, v2, vm0, $0xb8;
	[tilespmem:$0x1E400] =	vst v63  }
0x124: {  	s16 =	simm.s32 $0x19C00  }
0x125: {  	[tilespmem:s16], [sflag:$0xD] =	stream.indirect_vreg.gather [hbm4b:s7+s3], $0x80, v2, vm0, $0xb8;
	[tilespmem:$0x1E400] =	vst v63  }
0x126: {  	v2 =	vld.msk [tilespmem:$0x68], $0xff;
	_ =	sdelay $0x4  }
0x127: {  	v3 =	vshll.u32 v2, $0x3  }
0x128: {  	v2 =	vand.u32 $0x7, v2;
	v3 =	vand.u32 $0xFFFFFFC0, v3  }
0x129: {  	v2 =	vor.u32 v2, v3  }
0x12a: {  	v2 =	vperm.xlane v2, v0;
	_ =	sdelay $0x1  }
0x12b: {  	v2 =	vadd.s32 v1, v2;
	_ =	sdelay $0x3  }
0x12c: {  	s16 =	simm.s32 $0x1A400  }
0x12d: {  	[tilespmem:s16], [sflag:$0xE] =	stream.indirect_vreg.gather [hbm4b:s2+s3], $0x80, v2, vm0, $0xb8;
	[tilespmem:$0x1E400] =	vst v63  }
0x12e: {  	s20 =	simm.s32 $0x1AC00  }
0x12f: {  	[tilespmem:s20], [sflag:$0xE] =	stream.indirect_vreg.gather [hbm4b:s5+s3], $0x80, v2, vm0, $0xb8;
	[tilespmem:$0x1E400] =	vst v63  }
0x130: {  	s21 =	simm.s32 $0x1B400;
	s28 =	simm.s32 $0x1BC00  }
0x131: {  	[tilespmem:s21], [sflag:$0xE] =	stream.indirect_vreg.gather [hbm4b:s6+s3], $0x80, v2, vm0, $0xb8;
	[tilespmem:$0x1E400] =	vst v63  }
0x132: {  	s1 =	simm.s32 $0x1C400;
	s12 =	simm.s32 $0x0;
	s20 =	simm.s32 $0xE0  }
0x133: {  	[tilespmem:s28], [sflag:$0xE] =	stream.indirect_vreg.gather [hbm4b:s7+s3], $0x80, v2, vm0, $0xb8;
	[tilespmem:$0x1E400] =	vst v63  }
.LBB2_2:
0x134: {  	s0 =	simm.s32 $0x1  }
0x135: {  	_ =	swait.ge [sflag:s0], $0x2000  }
0x136: {  	p0 =	seq.s32 s12, $0x0;
	[sflag:s0] =	ssyncset.done $0x0  }
0x137: {  	s21 =	sadd.s32 s12, s19;
	s28 =	simm.s32 @!p0 $0x1E;
	[sflag:s0] =	ssyncadd.s32 $0xFFFFE000  }
0x138: {  	[hbm4b:s21+s3] =	stream.linear.scatter [tilespmem:s4], [sflag:$0x10], $0x2000, $0x38;
	[tilespmem:$0x1E400] =	vst v63  }
0x139: {  	_ =	swait.ge @!p0 [sflag:s28], $0x2000  }
0x13a: {  	[sflag:s28] =	ssyncset.done @!p0 $0x0  }
0x13b: {  	[sflag:s28] =	ssyncadd.s32 @!p0 $0xFFFFE000  }
0x13c: {  	v2 =	vld.msk [tilespmem:s20+$0xFFFFFF90], $0xff;
	_ =	sdelay $0x4  }
0x13d: {  	v3 =	vshll.u32 v2, $0x3  }
0x13e: {  	v2 =	vand.u32 $0x7, v2;
	v3 =	vand.u32 $0xFFFFFFC0, v3  }
0x13f: {  	v2 =	vor.u32 v2, v3  }
0x140: {  	v2 =	vperm.xlane v2, v0;
	_ =	sdelay $0x1  }
0x141: {  	v2 =	vadd.s32 v1, v2;
	_ =	sdelay $0x4  }
0x142: {  	[tilespmem:s1], [sflag:$0xF] =	stream.indirect_vreg.gather [hbm4b:s2+s3], $0x80, v2, vm0, $0xb8;
	[tilespmem:$0x1E400] =	vst v63  }
0x143: {  	s28 =	simm.s32 $0x1CC00  }
0x144: {  	[tilespmem:s28], [sflag:$0xF] =	stream.indirect_vreg.gather [hbm4b:s5+s3], $0x80, v2, vm0, $0xb8;
	[tilespmem:$0x1E400] =	vst v63  }
0x145: {  	s28 =	simm.s32 $0x1D400  }
0x146: {  	[tilespmem:s28], [sflag:$0xF] =	stream.indirect_vreg.gather [hbm4b:s6+s3], $0x80, v2, vm0, $0xb8;
	[tilespmem:$0x1E400] =	vst v63  }
0x147: {  	s28 =	simm.s32 $0x1DC00  }
0x148: {  	[tilespmem:s28], [sflag:$0xF] =	stream.indirect_vreg.gather [hbm4b:s7+s3], $0x80, v2, vm0, $0xb8;
	[tilespmem:$0x1E400] =	vst v63  }
0x149: {  	s28 =	simm.s32 $0x2  }
0x14a: {  	_ =	swait.ge [sflag:s28], $0x2000  }
0x14b: {  	[sflag:s28] =	ssyncset.done $0x0  }
0x14c: {  	s0 =	sadd.s32 $0x400, s21;
	[sflag:s28] =	ssyncadd.s32 $0xFFFFE000;
	s28 =	simm.s32 $0x10  }
0x14d: {  	[hbm4b:s0+s3] =	stream.linear.scatter [tilespmem:s11], [sflag:$0x11], $0x2000, $0x38;
	[tilespmem:$0x1E400] =	vst v63  }
0x14e: {  	_ =	swait.ge [sflag:s28], $0x2000  }
0x14f: {  	[sflag:s28] =	ssyncset.done $0x0  }
0x150: {  	[sflag:s28] =	ssyncadd.s32 $0xFFFFE000  }
0x151: {  	v2 =	vld.msk [tilespmem:s20+$0xFFFFFF98], $0xff;
	_ =	sdelay $0x4  }
0x152: {  	v3 =	vshll.u32 v2, $0x3  }
0x153: {  	v2 =	vand.u32 $0x7, v2;
	v3 =	vand.u32 $0xFFFFFFC0, v3  }
0x154: {  	v2 =	vor.u32 v2, v3  }
0x155: {  	v2 =	vperm.xlane v2, v0;
	_ =	sdelay $0x1  }
0x156: {  	v2 =	vadd.s32 v1, v2;
	_ =	sdelay $0x4  }
0x157: {  	[tilespmem:s4], [sflag:$0x1] =	stream.indirect_vreg.gather [hbm4b:s2+s3], $0x80, v2, vm0, $0xb8;
	[tilespmem:$0x1E400] =	vst v63  }
0x158: {  	s4 =	simm.s32 $0xC00  }
0x159: {  	[tilespmem:s4], [sflag:$0x1] =	stream.indirect_vreg.gather [hbm4b:s5+s3], $0x80, v2, vm0, $0xb8;
	[tilespmem:$0x1E400] =	vst v63  }
0x15a: {  	s28 =	simm.s32 $0x1400  }
0x15b: {  	[tilespmem:s28], [sflag:$0x1] =	stream.indirect_vreg.gather [hbm4b:s6+s3], $0x80, v2, vm0, $0xb8;
	[tilespmem:$0x1E400] =	vst v63  }
0x15c: {  	s4 =	simm.s32 $0x1C00;
	s28 =	simm.s32 $0x3  }
0x15d: {  	[tilespmem:s4], [sflag:$0x1] =	stream.indirect_vreg.gather [hbm4b:s7+s3], $0x80, v2, vm0, $0xb8;
	[tilespmem:$0x1E400] =	vst v63  }
0x15e: {  	_ =	swait.ge [sflag:s28], $0x2000  }
0x15f: {  	[sflag:s28] =	ssyncset.done $0x0  }
0x160: {  	s4 =	sadd.s32 $0x800, s21;
	[sflag:s28] =	ssyncadd.s32 $0xFFFFE000  }
0x161: {  	[hbm4b:s4+s3] =	stream.linear.scatter [tilespmem:s15], [sflag:$0x12], $0x2000, $0x38;
	[tilespmem:$0x1E400] =	vst v63  }
0x162: {  	_ =	swait.ge [sflag:s8], $0x2000  }
0x163: {  	[sflag:s8] =	ssyncset.done $0x0  }
0x164: {  	[sflag:s8] =	ssyncadd.s32 $0xFFFFE000  }
0x165: {  	v2 =	vld.msk [tilespmem:s20+$0xFFFFFFA0], $0xff;
	_ =	sdelay $0x4  }
0x166: {  	v3 =	vshll.u32 v2, $0x3  }
0x167: {  	v2 =	vand.u32 $0x7, v2;
	v3 =	vand.u32 $0xFFFFFFC0, v3  }
0x168: {  	v2 =	vor.u32 v2, v3  }
0x169: {  	v2 =	vperm.xlane v2, v0;
	_ =	sdelay $0x1  }
0x16a: {  	v2 =	vadd.s32 v1, v2;
	_ =	sdelay $0x4  }
0x16b: {  	[tilespmem:s11], [sflag:$0x2] =	stream.indirect_vreg.gather [hbm4b:s2+s3], $0x80, v2, vm0, $0xb8;
	[tilespmem:$0x1E400] =	vst v63  }
0x16c: {  	s11 =	simm.s32 $0x2C00  }
0x16d: {  	[tilespmem:s11], [sflag:$0x2] =	stream.indirect_vreg.gather [hbm4b:s5+s3], $0x80, v2, vm0, $0xb8;
	[tilespmem:$0x1E400] =	vst v63  }
0x16e: {  	s28 =	simm.s32 $0x3400  }
0x16f: {  	[tilespmem:s28], [sflag:$0x2] =	stream.indirect_vreg.gather [hbm4b:s6+s3], $0x80, v2, vm0, $0xb8;
	[tilespmem:$0x1E400] =	vst v63  }
0x170: {  	s4 =	simm.s32 $0x3C00  }
0x171: {  	[tilespmem:s4], [sflag:$0x2] =	stream.indirect_vreg.gather [hbm4b:s7+s3], $0x80, v2, vm0, $0xb8;
	[tilespmem:$0x1E400] =	vst v63  }
0x172: {  	_ =	swait.ge [sflag:s22], $0x2000  }
0x173: {  	[sflag:s22] =	ssyncset.done $0x0  }
0x174: {  	s11 =	sadd.s32 $0xC00, s21;
	[sflag:s22] =	ssyncadd.s32 $0xFFFFE000  }
0x175: {  	[hbm4b:s11+s3] =	stream.linear.scatter [tilespmem:s30], [sflag:$0x13], $0x2000, $0x38;
	[tilespmem:$0x1E400] =	vst v63  }
0x176: {  	_ =	swait.ge [sflag:s24], $0x2000  }
0x177: {  	[sflag:s24] =	ssyncset.done $0x0  }
0x178: {  	[sflag:s24] =	ssyncadd.s32 $0xFFFFE000  }
0x179: {  	v2 =	vld.msk [tilespmem:s20+$0xFFFFFFA8], $0xff;
	_ =	sdelay $0x4  }
0x17a: {  	v3 =	vshll.u32 v2, $0x3  }
0x17b: {  	v2 =	vand.u32 $0x7, v2;
	v3 =	vand.u32 $0xFFFFFFC0, v3  }
0x17c: {  	v2 =	vor.u32 v2, v3  }
0x17d: {  	v2 =	vperm.xlane v2, v0;
	_ =	sdelay $0x1  }
0x17e: {  	v2 =	vadd.s32 v1, v2;
	_ =	sdelay $0x4  }
0x17f: {  	[tilespmem:s15], [sflag:$0x3] =	stream.indirect_vreg.gather [hbm4b:s2+s3], $0x80, v2, vm0, $0xb8;
	[tilespmem:$0x1E400] =	vst v63  }
0x180: {  	s15 =	simm.s32 $0x4C00  }
0x181: {  	[tilespmem:s15], [sflag:$0x3] =	stream.indirect_vreg.gather [hbm4b:s5+s3], $0x80, v2, vm0, $0xb8;
	[tilespmem:$0x1E400] =	vst v63  }
0x182: {  	s28 =	simm.s32 $0x5400  }
0x183: {  	[tilespmem:s28], [sflag:$0x3] =	stream.indirect_vreg.gather [hbm4b:s6+s3], $0x80, v2, vm0, $0xb8;
	[tilespmem:$0x1E400] =	vst v63  }
0x184: {  	s4 =	simm.s32 $0x5C00  }
0x185: {  	[tilespmem:s4], [sflag:$0x3] =	stream.indirect_vreg.gather [hbm4b:s7+s3], $0x80, v2, vm0, $0xb8;
	[tilespmem:$0x1E400] =	vst v63  }
0x186: {  	_ =	swait.ge [sflag:s26], $0x2000  }
0x187: {  	[sflag:s26] =	ssyncset.done $0x0  }
0x188: {  	s11 =	sadd.s32 $0x1000, s21;
	s4 =	simm.s32 $0x8400;
	[sflag:s26] =	ssyncadd.s32 $0xFFFFE000  }
0x189: {  	[hbm4b:s11+s3] =	stream.linear.scatter [tilespmem:s4], [sflag:$0x14], $0x2000, $0x38;
	[tilespmem:$0x1E400] =	vst v63  }
0x18a: {  	_ =	swait.ge [sflag:s9], $0x2000  }
0x18b: {  	[sflag:s9] =	ssyncset.done $0x0  }
0x18c: {  	[sflag:s9] =	ssyncadd.s32 $0xFFFFE000  }
0x18d: {  	v2 =	vld.msk [tilespmem:s20+$0xFFFFFFB0], $0xff;
	_ =	sdelay $0x4  }
0x18e: {  	v3 =	vshll.u32 v2, $0x3  }
0x18f: {  	v2 =	vand.u32 $0x7, v2;
	v3 =	vand.u32 $0xFFFFFFC0, v3  }
0x190: {  	v2 =	vor.u32 v2, v3  }
0x191: {  	v2 =	vperm.xlane v2, v0;
	_ =	sdelay $0x1  }
0x192: {  	v2 =	vadd.s32 v1, v2;
	_ =	sdelay $0x4  }
0x193: {  	[tilespmem:s30], [sflag:$0x4] =	stream.indirect_vreg.gather [hbm4b:s2+s3], $0x80, v2, vm0, $0xb8;
	[tilespmem:$0x1E400] =	vst v63  }
0x194: {  	s15 =	simm.s32 $0x6C00  }
0x195: {  	[tilespmem:s15], [sflag:$0x4] =	stream.indirect_vreg.gather [hbm4b:s5+s3], $0x80, v2, vm0, $0xb8;
	[tilespmem:$0x1E400] =	vst v63  }
0x196: {  	s28 =	simm.s32 $0x7400  }
0x197: {  	[tilespmem:s28], [sflag:$0x4] =	stream.indirect_vreg.gather [hbm4b:s6+s3], $0x80, v2, vm0, $0xb8;
	[tilespmem:$0x1E400] =	vst v63  }
0x198: {  	s30 =	simm.s32 $0x7C00  }
0x199: {  	[tilespmem:s30], [sflag:$0x4] =	stream.indirect_vreg.gather [hbm4b:s7+s3], $0x80, v2, vm0, $0xb8;
	[tilespmem:$0x1E400] =	vst v63  }
0x19a: {  	_ =	swait.ge [sflag:s13], $0x2000  }
0x19b: {  	[sflag:s13] =	ssyncset.done $0x0  }
0x19c: {  	s0 =	sadd.s32 $0x1400, s21;
	s11 =	simm.s32 $0xA400;
	[sflag:s13] =	ssyncadd.s32 $0xFFFFE000  }
0x19d: {  	[hbm4b:s0+s3] =	stream.linear.scatter [tilespmem:s11], [sflag:$0x15], $0x2000, $0x38;
	[tilespmem:$0x1E400] =	vst v63  }
0x19e: {  	_ =	swait.ge [sflag:s31], $0x2000  }
0x19f: {  	[sflag:s31] =	ssyncset.done $0x0  }
0x1a0: {  	[sflag:s31] =	ssyncadd.s32 $0xFFFFE000  }
0x1a1: {  	v2 =	vld.msk [tilespmem:s20+$0xFFFFFFB8], $0xff;
	_ =	sdelay $0x4  }
0x1a2: {  	v3 =	vshll.u32 v2, $0x3  }
0x1a3: {  	v2 =	vand.u32 $0x7, v2;
	v3 =	vand.u32 $0xFFFFFFC0, v3  }
0x1a4: {  	v2 =	vor.u32 v2, v3  }
0x1a5: {  	v2 =	vperm.xlane v2, v0;
	_ =	sdelay $0x1  }
0x1a6: {  	v2 =	vadd.s32 v1, v2;
	_ =	sdelay $0x4  }
0x1a7: {  	[tilespmem:s4], [sflag:$0x5] =	stream.indirect_vreg.gather [hbm4b:s2+s3], $0x80, v2, vm0, $0xb8;
	[tilespmem:$0x1E400] =	vst v63  }
0x1a8: {  	s15 =	simm.s32 $0x8C00  }
0x1a9: {  	[tilespmem:s15], [sflag:$0x5] =	stream.indirect_vreg.gather [hbm4b:s5+s3], $0x80, v2, vm0, $0xb8;
	[tilespmem:$0x1E400] =	vst v63  }
0x1aa: {  	s28 =	simm.s32 $0x9400  }
0x1ab: {  	[tilespmem:s28], [sflag:$0x5] =	stream.indirect_vreg.gather [hbm4b:s6+s3], $0x80, v2, vm0, $0xb8;
	[tilespmem:$0x1E400] =	vst v63  }
0x1ac: {  	s30 =	simm.s32 $0x9C00  }
0x1ad: {  	[tilespmem:s30], [sflag:$0x5] =	stream.indirect_vreg.gather [hbm4b:s7+s3], $0x80, v2, vm0, $0xb8;
	[tilespmem:$0x1E400] =	vst v63  }
0x1ae: {  	_ =	swait.ge [sflag:s14], $0x2000  }
0x1af: {  	[sflag:s14] =	ssyncset.done $0x0  }
0x1b0: {  	s0 =	sadd.s32 $0x1800, s21;
	s4 =	simm.s32 $0xC400;
	[sflag:s14] =	ssyncadd.s32 $0xFFFFE000  }
0x1b1: {  	[hbm4b:s0+s3] =	stream.linear.scatter [tilespmem:s4], [sflag:$0x16], $0x2000, $0x38;
	[tilespmem:$0x1E400] =	vst v63  }
0x1b2: {  	_ =	swait.ge [sflag:s10], $0x2000  }
0x1b3: {  	[sflag:s10] =	ssyncset.done $0x0  }
0x1b4: {  	[sflag:s10] =	ssyncadd.s32 $0xFFFFE000  }
0x1b5: {  	v2 =	vld.msk [tilespmem:s20+$0xFFFFFFC0], $0xff;
	_ =	sdelay $0x4  }
0x1b6: {  	v3 =	vshll.u32 v2, $0x3  }
0x1b7: {  	v2 =	vand.u32 $0x7, v2;
	v3 =	vand.u32 $0xFFFFFFC0, v3  }
0x1b8: {  	v2 =	vor.u32 v2, v3  }
0x1b9: {  	v2 =	vperm.xlane v2, v0;
	_ =	sdelay $0x1  }
0x1ba: {  	v2 =	vadd.s32 v1, v2;
	_ =	sdelay $0x4  }
0x1bb: {  	[tilespmem:s11], [sflag:$0x6] =	stream.indirect_vreg.gather [hbm4b:s2+s3], $0x80, v2, vm0, $0xb8;
	[tilespmem:$0x1E400] =	vst v63  }
0x1bc: {  	s15 =	simm.s32 $0xAC00  }
0x1bd: {  	[tilespmem:s15], [sflag:$0x6] =	stream.indirect_vreg.gather [hbm4b:s5+s3], $0x80, v2, vm0, $0xb8;
	[tilespmem:$0x1E400] =	vst v63  }
0x1be: {  	s28 =	simm.s32 $0xB400  }
0x1bf: {  	[tilespmem:s28], [sflag:$0x6] =	stream.indirect_vreg.gather [hbm4b:s6+s3], $0x80, v2, vm0, $0xb8;
	[tilespmem:$0x1E400] =	vst v63  }
0x1c0: {  	s30 =	simm.s32 $0xBC00  }
0x1c1: {  	[tilespmem:s30], [sflag:$0x6] =	stream.indirect_vreg.gather [hbm4b:s7+s3], $0x80, v2, vm0, $0xb8;
	[tilespmem:$0x1E400] =	vst v63  }
0x1c2: {  	_ =	swait.ge [sflag:s17], $0x2000  }
0x1c3: {  	[sflag:s17] =	ssyncset.done $0x0  }
0x1c4: {  	s0 =	sadd.s32 $0x1C00, s21;
	s11 =	simm.s32 $0xE400;
	[sflag:s17] =	ssyncadd.s32 $0xFFFFE000  }
0x1c5: {  	[hbm4b:s0+s3] =	stream.linear.scatter [tilespmem:s11], [sflag:$0x17], $0x2000, $0x38;
	[tilespmem:$0x1E400] =	vst v63  }
0x1c6: {  	_ =	swait.ge [sflag:s18], $0x2000  }
0x1c7: {  	[sflag:s18] =	ssyncset.done $0x0  }
0x1c8: {  	[sflag:s18] =	ssyncadd.s32 $0xFFFFE000  }
0x1c9: {  	v2 =	vld.msk [tilespmem:s20+$0xFFFFFFC8], $0xff;
	_ =	sdelay $0x4  }
0x1ca: {  	v3 =	vshll.u32 v2, $0x3  }
0x1cb: {  	v2 =	vand.u32 $0x7, v2;
	v3 =	vand.u32 $0xFFFFFFC0, v3  }
0x1cc: {  	v2 =	vor.u32 v2, v3  }
0x1cd: {  	v2 =	vperm.xlane v2, v0;
	_ =	sdelay $0x1  }
0x1ce: {  	v2 =	vadd.s32 v1, v2;
	_ =	sdelay $0x4  }
0x1cf: {  	[tilespmem:s4], [sflag:$0x7] =	stream.indirect_vreg.gather [hbm4b:s2+s3], $0x80, v2, vm0, $0xb8;
	[tilespmem:$0x1E400] =	vst v63  }
0x1d0: {  	s4 =	simm.s32 $0xCC00  }
0x1d1: {  	[tilespmem:s4], [sflag:$0x7] =	stream.indirect_vreg.gather [hbm4b:s5+s3], $0x80, v2, vm0, $0xb8;
	[tilespmem:$0x1E400] =	vst v63  }
0x1d2: {  	s15 =	simm.s32 $0xD400  }
0x1d3: {  	[tilespmem:s15], [sflag:$0x7] =	stream.indirect_vreg.gather [hbm4b:s6+s3], $0x80, v2, vm0, $0xb8;
	[tilespmem:$0x1E400] =	vst v63  }
0x1d4: {  	s28 =	simm.s32 $0xDC00;
	s30 =	simm.s32 $0x9  }
0x1d5: {  	[tilespmem:s28], [sflag:$0x7] =	stream.indirect_vreg.gather [hbm4b:s7+s3], $0x80, v2, vm0, $0xb8;
	[tilespmem:$0x1E400] =	vst v63  }
0x1d6: {  	_ =	swait.ge [sflag:s30], $0x2000  }
0x1d7: {  	[sflag:s30] =	ssyncset.done $0x0  }
0x1d8: {  	s0 =	sadd.s32 $0x2000, s21;
	s4 =	simm.s32 $0x10400;
	[sflag:s30] =	ssyncadd.s32 $0xFFFFE000  }
0x1d9: {  	[hbm4b:s0+s3] =	stream.linear.scatter [tilespmem:s4], [sflag:$0x18], $0x2000, $0x38;
	[tilespmem:$0x1E400] =	vst v63  }
0x1da: {  	_ =	swait.ge [sflag:s25], $0x2000  }
0x1db: {  	[sflag:s25] =	ssyncset.done $0x0  }
0x1dc: {  	[sflag:s25] =	ssyncadd.s32 $0xFFFFE000  }
0x1dd: {  	v2 =	vld.msk [tilespmem:s20+$0xFFFFFFD0], $0xff;
	_ =	sdelay $0x4  }
0x1de: {  	v3 =	vshll.u32 v2, $0x3  }
0x1df: {  	v2 =	vand.u32 $0x7, v2;
	v3 =	vand.u32 $0xFFFFFFC0, v3  }
0x1e0: {  	v2 =	vor.u32 v2, v3  }
0x1e1: {  	v2 =	vperm.xlane v2, v0;
	_ =	sdelay $0x1  }
0x1e2: {  	v2 =	vadd.s32 v1, v2;
	_ =	sdelay $0x4  }
0x1e3: {  	[tilespmem:s11], [sflag:$0x8] =	stream.indirect_vreg.gather [hbm4b:s2+s3], $0x80, v2, vm0, $0xb8;
	[tilespmem:$0x1E400] =	vst v63  }
0x1e4: {  	s11 =	simm.s32 $0xEC00  }
0x1e5: {  	[tilespmem:s11], [sflag:$0x8] =	stream.indirect_vreg.gather [hbm4b:s5+s3], $0x80, v2, vm0, $0xb8;
	[tilespmem:$0x1E400] =	vst v63  }
0x1e6: {  	s15 =	simm.s32 $0xF400  }
0x1e7: {  	[tilespmem:s15], [sflag:$0x8] =	stream.indirect_vreg.gather [hbm4b:s6+s3], $0x80, v2, vm0, $0xb8;
	[tilespmem:$0x1E400] =	vst v63  }
0x1e8: {  	s28 =	simm.s32 $0xFC00;
	s30 =	simm.s32 $0xA  }
0x1e9: {  	[tilespmem:s28], [sflag:$0x8] =	stream.indirect_vreg.gather [hbm4b:s7+s3], $0x80, v2, vm0, $0xb8;
	[tilespmem:$0x1E400] =	vst v63  }
0x1ea: {  	_ =	swait.ge [sflag:s30], $0x2000  }
0x1eb: {  	p0 =	seq.s32 s12, $0x1A400;
	s4 =	sadd.s32 $0x2400, s21;
	[sflag:s30] =	ssyncset.done $0x0  }
0x1ec: {  	s11 =	simm.s32 $0x12400;
	s28 =	simm.s32 @p0 $0xB;
	[sflag:s30] =	ssyncadd.s32 $0xFFFFE000  }
0x1ed: {  	[hbm4b:s4+s3] =	stream.linear.scatter [tilespmem:s11], [sflag:$0x19], $0x2000, $0x38;
	[tilespmem:$0x1E400] =	vst v63  }
0x1ee: {  	_ =	swait.ge @p0 [sflag:s28], $0x2000  }
0x1ef: {  	s30 =	simm.s32 @p0 $0x0;
	[sflag:s28] =	ssyncset.done @p0 $0x0  }
0x1f0: {  	s0 =	rddreg [dreg:$0xe];
	[sflag:s28] =	ssyncadd.s32 @p0 $0xFFFFE000;
	s28 =	simm.s32 @p0 $0x14400  }
0x1f1: {  	[hbm4b:s0+s30] =	stream.linear.scatter @p0 [tilespmem:s28], [sflag:$0x1A], $0x2000, $0x38;
	[tilespmem:$0x1E400] =	vst v63  }
0x1f2: {  	s28 =	simm.s32 @!p0 $0x18  }
0x1f3: {  	_ =	swait.ge @!p0 [sflag:s28], $0x2000  }
0x1f4: {  	[sflag:s28] =	ssyncset.done @!p0 $0x0  }
0x1f5: {  	[sflag:s28] =	ssyncadd.s32 @!p0 $0xFFFFE000  }
0x1f6: {  	v2 =	vld.msk @!p0 [tilespmem:s20+$0xFFFFFFD8], $0xff;
	_ =	sdelay $0x4  }
0x1f7: {  	v3 =	vshll.u32 @!p0 v2, $0x3  }
0x1f8: {  	v4 =	vlaneseq.u32 @!p0;
	v2 =	vand.u32 @!p0 $0x7, v2;
	v3 =	vand.u32 @!p0 $0xFFFFFFC0, v3  }
0x1f9: {  	v2 =	vor.u32 @!p0 v2, v3;
	v3 =	vand.u32 @!p0 $0x7, v4;
	v4 =	vshrl.u32 @!p0 v4, $0x3  }
0x1fa: {  	v2 =	vperm.xlane @!p0 v2, v3;
	v4 =	vmul.u32 @!p0 $0x8, v4;
	_ =	sdelay $0x1  }
0x1fb: {  	v2 =	vadd.s32 @!p0 v4, v2;
	_ =	sdelay $0x3  }
0x1fc: {  	vm1 =	vmmov @!p0 $0xffff;
	s4 =	simm.s32 @!p0 $0x10400;
	s28 =	simm.s32 @!p0 $0x0  }
0x1fd: {  	[tilespmem:s4], [sflag:$0x9] =	stream.indirect_vreg.gather @!p0 [hbm4b:s2+s28], $0x80, v2, vm1, $0xb8;
	[tilespmem:$0x1E400] =	vst v63  }
0x1fe: {  	s4 =	simm.s32 @!p0 $0x10C00  }
0x1ff: {  	[tilespmem:s4], [sflag:$0x9] =	stream.indirect_vreg.gather @!p0 [hbm4b:s5+s28], $0x80, v2, vm1, $0xb8;
	[tilespmem:$0x1E400] =	vst v63  }
0x200: {  	s4 =	simm.s32 @!p0 $0x11400  }
0x201: {  	[tilespmem:s4], [sflag:$0x9] =	stream.indirect_vreg.gather @!p0 [hbm4b:s6+s28], $0x80, v2, vm1, $0xb8;
	[tilespmem:$0x1E400] =	vst v63  }
0x202: {  	s4 =	simm.s32 @!p0 $0x11C00  }
0x203: {  	[tilespmem:s4], [sflag:$0x9] =	stream.indirect_vreg.gather @!p0 [hbm4b:s7+s28], $0x80, v2, vm1, $0xb8;
	[tilespmem:$0x1E400] =	vst v63  }
0x204: {  	s4 =	simm.s32 @!p0 $0xB  }
0x205: {  	_ =	swait.ge @!p0 [sflag:s4], $0x2000  }
0x206: {  	s11 =	sadd.s32 @!p0 s12, s19;
	[sflag:s4] =	ssyncset.done @!p0 $0x0  }
0x207: {  	s0 =	simm.s32 @!p0 $0x14400;
	[sflag:s4] =	ssyncadd.s32 @!p0 $0xFFFFE000;
	s4 =	sadd.s32 @!p0 $0x2800, s11  }
0x208: {  	[hbm4b:s4+s28] =	stream.linear.scatter @!p0 [tilespmem:s0], [sflag:$0x1A], $0x2000, $0x38;
	[tilespmem:$0x1E400] =	vst v63  }
0x209: {  	s4 =	simm.s32 @!p0 $0x19  }
0x20a: {  	_ =	swait.ge @!p0 [sflag:s4], $0x2000  }
0x20b: {  	[sflag:s4] =	ssyncset.done @!p0 $0x0  }
0x20c: {  	[sflag:s4] =	ssyncadd.s32 @!p0 $0xFFFFE000  }
0x20d: {  	v2 =	vld.msk @!p0 [tilespmem:s20+$0xFFFFFFE0], $0xff;
	_ =	sdelay $0x4  }
0x20e: {  	v5 =	vshll.u32 @!p0 v2, $0x3  }
0x20f: {  	v2 =	vand.u32 @!p0 $0x7, v2;
	v5 =	vand.u32 @!p0 $0xFFFFFFC0, v5  }
0x210: {  	v2 =	vor.u32 @!p0 v2, v5  }
0x211: {  	v2 =	vperm.xlane @!p0 v2, v3;
	_ =	sdelay $0x1  }
0x212: {  	v2 =	vadd.s32 @!p0 v4, v2;
	_ =	sdelay $0x3  }
0x213: {  	s4 =	simm.s32 @!p0 $0x12400  }
0x214: {  	[tilespmem:s4], [sflag:$0xA] =	stream.indirect_vreg.gather @!p0 [hbm4b:s2+s28], $0x80, v2, vm1, $0xb8;
	[tilespmem:$0x1E400] =	vst v63  }
0x215: {  	s4 =	simm.s32 @!p0 $0x12C00  }
0x216: {  	[tilespmem:s4], [sflag:$0xA] =	stream.indirect_vreg.gather @!p0 [hbm4b:s5+s28], $0x80, v2, vm1, $0xb8;
	[tilespmem:$0x1E400] =	vst v63  }
0x217: {  	s4 =	simm.s32 @!p0 $0x13400  }
0x218: {  	[tilespmem:s4], [sflag:$0xA] =	stream.indirect_vreg.gather @!p0 [hbm4b:s6+s28], $0x80, v2, vm1, $0xb8;
	[tilespmem:$0x1E400] =	vst v63  }
0x219: {  	s15 =	simm.s32 $0xC;
	s4 =	simm.s32 @!p0 $0x13C00  }
0x21a: {  	[tilespmem:s4], [sflag:$0xA] =	stream.indirect_vreg.gather @!p0 [hbm4b:s7+s28], $0x80, v2, vm1, $0xb8;
	[tilespmem:$0x1E400] =	vst v63  }
0x21b: {  	_ =	swait.ge [sflag:s15], $0x2000  }
0x21c: {  	[sflag:s15] =	ssyncset.done $0x0  }
0x21d: {  	s4 =	sadd.s32 $0x2C00, s21;
	[sflag:s15] =	ssyncadd.s32 $0xFFFFE000;
	s15 =	simm.s32 $0x16400  }
0x21e: {  	[hbm4b:s4+s3] =	stream.linear.scatter [tilespmem:s15], [sflag:$0x1B], $0x2000, $0x38;
	[tilespmem:$0x1E400] =	vst v63  }
0x21f: {  	s4 =	simm.s32 @p0 $0xD  }
0x220: {  	_ =	swait.ge @p0 [sflag:s4], $0x2000  }
0x221: {  	[sflag:s4] =	ssyncset.done @p0 $0x0  }
0x222: {  	s15 =	rddreg [dreg:$0xf];
	[sflag:s4] =	ssyncadd.s32 @p0 $0xFFFFE000;
	s4 =	simm.s32 @p0 $0x18400  }
0x223: {  	[hbm4b:s15+s30] =	stream.linear.scatter @p0 [tilespmem:s4], [sflag:$0x1C], $0x2000, $0x38;
	[tilespmem:$0x1E400] =	vst v63  }
0x224: {  	s4 =	simm.s32 @!p0 $0x1A  }
0x225: {  	_ =	swait.ge @!p0 [sflag:s4], $0x2000  }
0x226: {  	[sflag:s4] =	ssyncset.done @!p0 $0x0  }
0x227: {  	[sflag:s4] =	ssyncadd.s32 @!p0 $0xFFFFE000  }
0x228: {  	v2 =	vld.msk @!p0 [tilespmem:s20+$0xFFFFFFE8], $0xff;
	_ =	sdelay $0x4  }
0x229: {  	v5 =	vshll.u32 @!p0 v2, $0x3  }
0x22a: {  	v2 =	vand.u32 @!p0 $0x7, v2;
	v5 =	vand.u32 @!p0 $0xFFFFFFC0, v5  }
0x22b: {  	v2 =	vor.u32 @!p0 v2, v5  }
0x22c: {  	v2 =	vperm.xlane @!p0 v2, v3;
	_ =	sdelay $0x1  }
0x22d: {  	v2 =	vadd.s32 @!p0 v4, v2;
	_ =	sdelay $0x4  }
0x22e: {  	[tilespmem:s0], [sflag:$0xB] =	stream.indirect_vreg.gather @!p0 [hbm4b:s2+s28], $0x80, v2, vm1, $0xb8;
	[tilespmem:$0x1E400] =	vst v63  }
0x22f: {  	s0 =	simm.s32 @!p0 $0x14C00  }
0x230: {  	[tilespmem:s0], [sflag:$0xB] =	stream.indirect_vreg.gather @!p0 [hbm4b:s5+s28], $0x80, v2, vm1, $0xb8;
	[tilespmem:$0x1E400] =	vst v63  }
0x231: {  	s0 =	simm.s32 @!p0 $0x15400  }
0x232: {  	[tilespmem:s0], [sflag:$0xB] =	stream.indirect_vreg.gather @!p0 [hbm4b:s6+s28], $0x80, v2, vm1, $0xb8;
	[tilespmem:$0x1E400] =	vst v63  }
0x233: {  	s0 =	simm.s32 @!p0 $0x15C00  }
0x234: {  	[tilespmem:s0], [sflag:$0xB] =	stream.indirect_vreg.gather @!p0 [hbm4b:s7+s28], $0x80, v2, vm1, $0xb8;
	[tilespmem:$0x1E400] =	vst v63  }
0x235: {  	s0 =	simm.s32 @!p0 $0xD  }
0x236: {  	_ =	swait.ge @!p0 [sflag:s0], $0x2000  }
0x237: {  	[sflag:s0] =	ssyncset.done @!p0 $0x0  }
0x238: {  	s4 =	simm.s32 @!p0 $0x18400;
	[sflag:s0] =	ssyncadd.s32 @!p0 $0xFFFFE000;
	s0 =	sadd.s32 @!p0 $0x3000, s11  }
0x239: {  	[hbm4b:s0+s28] =	stream.linear.scatter @!p0 [tilespmem:s4], [sflag:$0x1C], $0x2000, $0x38;
	[tilespmem:$0x1E400] =	vst v63  }
0x23a: {  	s0 =	simm.s32 @!p0 $0x1B  }
0x23b: {  	_ =	swait.ge @!p0 [sflag:s0], $0x2000  }
0x23c: {  	[sflag:s0] =	ssyncset.done @!p0 $0x0  }
0x23d: {  	[sflag:s0] =	ssyncadd.s32 @!p0 $0xFFFFE000  }
0x23e: {  	v2 =	vld.msk @!p0 [tilespmem:s20+$0xFFFFFFF0], $0xff;
	_ =	sdelay $0x4  }
0x23f: {  	v5 =	vshll.u32 @!p0 v2, $0x3  }
0x240: {  	v2 =	vand.u32 @!p0 $0x7, v2;
	v5 =	vand.u32 @!p0 $0xFFFFFFC0, v5  }
0x241: {  	v2 =	vor.u32 @!p0 v2, v5  }
0x242: {  	v2 =	vperm.xlane @!p0 v2, v3;
	_ =	sdelay $0x1  }
0x243: {  	v2 =	vadd.s32 @!p0 v4, v2;
	_ =	sdelay $0x3  }
0x244: {  	s0 =	simm.s32 @!p0 $0x16400  }
0x245: {  	[tilespmem:s0], [sflag:$0xC] =	stream.indirect_vreg.gather @!p0 [hbm4b:s2+s28], $0x80, v2, vm1, $0xb8;
	[tilespmem:$0x1E400] =	vst v63  }
0x246: {  	s0 =	simm.s32 @!p0 $0x16C00  }
0x247: {  	[tilespmem:s0], [sflag:$0xC] =	stream.indirect_vreg.gather @!p0 [hbm4b:s5+s28], $0x80, v2, vm1, $0xb8;
	[tilespmem:$0x1E400] =	vst v63  }
0x248: {  	s0 =	simm.s32 @!p0 $0x17400  }
0x249: {  	[tilespmem:s0], [sflag:$0xC] =	stream.indirect_vreg.gather @!p0 [hbm4b:s6+s28], $0x80, v2, vm1, $0xb8;
	[tilespmem:$0x1E400] =	vst v63  }
0x24a: {  	s0 =	simm.s32 @!p0 $0x17C00  }
0x24b: {  	[tilespmem:s0], [sflag:$0xC] =	stream.indirect_vreg.gather @!p0 [hbm4b:s7+s28], $0x80, v2, vm1, $0xb8;
	[tilespmem:$0x1E400] =	vst v63  }
.Ltmp2:
0x24c: {  	s28 =	simm.s32 $0xE;
	(pc) =	sbr.rel @p0 .LBB2_4-.Ltmp2, $4  }
0x24d: {  	_ =	swait.ge [sflag:s28], $0x2000  }
0x24e: {  	s30 =	sadd.s32 $0x3400, s21;
	[sflag:s28] =	ssyncset.done $0x0  }
0x24f: {  	s21 =	sadd.s32 $0x3800, s21;
	s4 =	simm.s32 $0x1A400;
	[sflag:s28] =	ssyncadd.s32 $0xFFFFE000  }
0x250: {  	[hbm4b:s30+s3] =	stream.linear.scatter [tilespmem:s16], [sflag:$0x1D], $0x2000, $0x38;
	[tilespmem:$0x1E400] =	vst v63  }
0x251: {  	_ =	swait.ge [sflag:s23], $0x2000  }
0x252: {  	[sflag:s23] =	ssyncset.done $0x0  }
0x253: {  	[sflag:s23] =	ssyncadd.s32 $0xFFFFE000  }
0x254: {  	v2 =	vld.msk [tilespmem:s20+$0xFFFFFFF8], $0xff;
	_ =	sdelay $0x4  }
0x255: {  	v3 =	vshll.u32 v2, $0x3  }
0x256: {  	v2 =	vand.u32 $0x7, v2;
	v3 =	vand.u32 $0xFFFFFFC0, v3  }
0x257: {  	v2 =	vor.u32 v2, v3  }
0x258: {  	v2 =	vperm.xlane v2, v0;
	_ =	sdelay $0x1  }
0x259: {  	v2 =	vadd.s32 v1, v2;
	_ =	sdelay $0x3  }
0x25a: {  	s0 =	simm.s32 $0x18400  }
0x25b: {  	[tilespmem:s0], [sflag:$0xD] =	stream.indirect_vreg.gather [hbm4b:s2+s3], $0x80, v2, vm0, $0xb8;
	[tilespmem:$0x1E400] =	vst v63  }
0x25c: {  	s16 =	simm.s32 $0x18C00  }
0x25d: {  	[tilespmem:s16], [sflag:$0xD] =	stream.indirect_vreg.gather [hbm4b:s5+s3], $0x80, v2, vm0, $0xb8;
	[tilespmem:$0x1E400] =	vst v63  }
0x25e: {  	s28 =	simm.s32 $0x19400  }
0x25f: {  	[tilespmem:s28], [sflag:$0xD] =	stream.indirect_vreg.gather [hbm4b:s6+s3], $0x80, v2, vm0, $0xb8;
	[tilespmem:$0x1E400] =	vst v63  }
0x260: {  	s11 =	simm.s32 $0x19C00;
	s15 =	simm.s32 $0xF  }
0x261: {  	[tilespmem:s11], [sflag:$0xD] =	stream.indirect_vreg.gather [hbm4b:s7+s3], $0x80, v2, vm0, $0xb8;
	[tilespmem:$0x1E400] =	vst v63  }
0x262: {  	_ =	swait.ge [sflag:s15], $0x2000  }
0x263: {  	[sflag:s15] =	ssyncset.done $0x0  }
0x264: {  	[sflag:s15] =	ssyncadd.s32 $0xFFFFE000  }
0x265: {  	[hbm4b:s21+s3] =	stream.linear.scatter [tilespmem:s1], [sflag:$0x1E], $0x2000, $0x38;
	[tilespmem:$0x1E400] =	vst v63  }
0x266: {  	_ =	swait.ge [sflag:s29], $0x2000  }
0x267: {  	[sflag:s29] =	ssyncset.done $0x0  }
0x268: {  	[sflag:s29] =	ssyncadd.s32 $0xFFFFE000  }
0x269: {  	v2 =	vld.msk [tilespmem:s20+$0x0], $0xff;
	_ =	sdelay $0x4  }
0x26a: {  	v3 =	vshll.u32 v2, $0x3  }
0x26b: {  	v2 =	vand.u32 $0x7, v2;
	v3 =	vand.u32 $0xFFFFFFC0, v3  }
0x26c: {  	v2 =	vor.u32 v2, v3  }
0x26d: {  	v2 =	vperm.xlane v2, v0;
	_ =	sdelay $0x1  }
0x26e: {  	v2 =	vadd.s32 v1, v2;
	_ =	sdelay $0x4  }
0x26f: {  	[tilespmem:s4], [sflag:$0xE] =	stream.indirect_vreg.gather [hbm4b:s2+s3], $0x80, v2, vm0, $0xb8;
	[tilespmem:$0x1E400] =	vst v63  }
0x270: {  	s12 =	sadd.s32 $0x3C00, s12;
	s16 =	simm.s32 $0x1AC00  }
0x271: {  	[tilespmem:s16], [sflag:$0xE] =	stream.indirect_vreg.gather [hbm4b:s5+s3], $0x80, v2, vm0, $0xb8;
	[tilespmem:$0x1E400] =	vst v63  }
.Ltmp3:
0x272: {  	s30 =	simm.s32 $0x6400;
	s28 =	simm.s32 $0x1BC00;
	(pc) =	sbr.rel .LBB2_2-.Ltmp3, $4  }
0x273: {  	s11 =	simm.s32 $0x2400;
	s15 =	simm.s32 $0x4400;
	s21 =	simm.s32 $0x1B400  }
0x274: {  	[tilespmem:s21], [sflag:$0xE] =	stream.indirect_vreg.gather [hbm4b:s6+s3], $0x80, v2, vm0, $0xb8;
	[tilespmem:$0x1E400] =	vst v63  }
0x275: {  	s20 =	sadd.s32 $0x78, s20;
	s4 =	simm.s32 $0x400;
	s16 =	simm.s32 $0x1A400  }
0x276: {  	[tilespmem:s28], [sflag:$0xE] =	stream.indirect_vreg.gather [hbm4b:s7+s3], $0x80, v2, vm0, $0xb8;
	[tilespmem:$0x1E400] =	vst v63  }
.LBB2_5:
0x277: {  	_ =	sfence.sel $0x180000  }
0x278: {  	[bflag:$0x0] =	sbarrier.arrive $0xFFFF  }
0x279: {  	_ =	strace $0x90000047  }
0x27a: {  	s0 =	stileid.u32;
	[bflag:$0x2] =	sbarrier.arrive $0xFFFF  }
0x27b: {  	p0 =	sne.s32 s0, $0x0;
	s0 =	rddreg [dreg:$0x3]  }
0x27c: {  	s0 =	sadd.s32 @!p0 $0x100000, s0  }
0x27d: {  	[sflag:s0] =	ssyncadd.tile.s32 @!p0 $0x1;
	_ =	shalt  }
.Lfunc_end2:
_tile_overlayer_lowered:
.L_overlay_start_2:
0x27e: {  	(tag) =	ssettag $0x2  }
0x27f: {  	s0 =	rddreg [dreg:$0x0];
	s2 =	stileid.u32  }
0x280: {  	s1 =	rddreg [dreg:$0x1];
	p0 =	sne.s32 s2, $0x0  }
0x281: {  	s3 =	rddreg [dreg:$0x2];
	[bflag:$0x3] =	sbarrier.arrive $0xFFFF;
	s2 =	simm.s32 @!p0 $0x1C1F  }
0x282: {  	[timem:s3], [sflag:s2] =	dma.local @!p0 [hbm:s0], s1  }
0x283: {  	s0 =	simm.s32 @!p0 $0x1F  }
0x284: {  	_ =	swait.ge @!p0 [sflag:s0], s1  }
0x285: {  	s1 =	ssub.s32 @!p0 $0x0, s1;
	[sflag:s0] =	ssyncset.done @!p0 $0x0  }
0x286: {  	[sflag:s0] =	ssyncadd.s32 @!p0 s1  }
0x287: {  	[bflag:$0x3] =	sbarrier.arrive $0xFFFF  }
0x288: {  	_ =	shalt  }

</sc_bundles>
